<compile_context>
chip_gen: v7x
topology: tpu7x:2x2x1
jax: 0.10.2.dev20260603
libtpu: 0.0.44.dev20260713+nightly
codegen_flags: <defaults>
</compile_context>

<pallas_src>
import functools

import jax
import jax.numpy as jnp
from jax import lax
from jax.experimental import pallas as pl
from jax.experimental.pallas import tpu as pltpu
from jax.experimental.pallas import tpu_sc as plsc

NC = 2
NS = 16
NW = NC * NS
CC = 128
NB = 4
LA = 2
NSEG = 2


def _deg_call(npad, rows_per_w):
    sl = npad // NS

    mesh = plsc.VectorSubcoreMesh(core_axis_name="c", subcore_axis_name="s")

    @functools.partial(
        pl.kernel,
        mesh=mesh,
        out_type=jax.ShapeDtypeStruct((NC * npad,), jnp.float32),
        scratch_types=[
            pltpu.VMEM((rows_per_w, CC), jnp.int32),
            pltpu.VMEM((CC,), jnp.float32),
            pltpu.VMEM((sl,), jnp.float32),
            pltpu.VMEM_SHARED((npad,), jnp.float32),
        ],
    )
    def deg_kernel(dst_hbm, deg_out, dstb, onesb, zb, deg_sh):
        cid = lax.axis_index("c")
        sid = lax.axis_index("s")
        z16 = jnp.zeros((16,), jnp.float32)
        o16 = jnp.ones((16,), jnp.float32)

        def zf(i, c):
            zb[pl.ds(i * 16, 16)] = z16
            return c
        lax.fori_loop(0, sl // 16, zf, 0)
        for k in range(CC // 16):
            onesb[pl.ds(k * 16, 16)] = o16

        base = sid * sl
        pltpu.sync_copy(zb, deg_sh.at[pl.ds(base, sl)])
        plsc.subcore_barrier()

        wid = cid * NS + sid
        pltpu.sync_copy(dst_hbm.at[pl.ds(wid * rows_per_w, rows_per_w)], dstb)

        def body(j, c):
            pltpu.sync_copy(onesb, deg_sh.at[dstb.at[j]], add=True)
            return c
        lax.fori_loop(0, rows_per_w, body, 0)
        plsc.subcore_barrier()
        pltpu.sync_copy(deg_sh.at[pl.ds(base, sl)],
                        deg_out.at[pl.ds(cid * npad + base, sl)])

    return deg_kernel


def _agg_call(npad, d, rows_per_w):
    sl = npad // NS

    mesh = plsc.VectorSubcoreMesh(core_axis_name="c", subcore_axis_name="s")

    @functools.partial(
        pl.kernel,
        mesh=mesh,
        out_type=jax.ShapeDtypeStruct((NC, npad, d), jnp.bfloat16),
        compiler_params=pltpu.CompilerParams(use_tc_tiling_on_sc=False),
        scratch_types=[
            pltpu.VMEM((rows_per_w // NSEG, CC), jnp.int32),
            pltpu.VMEM((rows_per_w // NSEG, CC), jnp.int32),
            pltpu.VMEM_SHARED((npad, d), jnp.bfloat16),
            pltpu.VMEM_SHARED((npad, d), jnp.bfloat16),
        ] + [pltpu.VMEM((CC, d), jnp.bfloat16) for _ in range(NB)]
          + [pltpu.SemaphoreType.DMA for _ in range(2 * NB)],
    )
    def agg_kernel(xs_hbm, src_hbm, dst_hbm, agg_out,
                   srcb, dstb, agg_sh, xs_sh, *ring):
        bufs, sg, ss = ring[0:NB], ring[NB:2 * NB], ring[2 * NB:3 * NB]
        cid = lax.axis_index("c")
        sid = lax.axis_index("s")
        z32 = jnp.zeros((32,), jnp.bfloat16)

        def zf(i, c):
            r = i // (d // 32)
            k = i % (d // 32)
            bufs[0][r, pl.ds(k * 32, 32)] = z32
            return c

        segrows = rows_per_w // NSEG
        base = sid * sl
        wid = cid * NS + sid
        wrow = wid * rows_per_w

        pltpu.sync_copy(xs_hbm.at[pl.ds(base, sl)], xs_sh.at[pl.ds(base, sl)])
        lax.fori_loop(0, CC * (d // 32), zf, 0)
        for k in range(sl // CC):
            pltpu.sync_copy(bufs[0], agg_sh.at[pl.ds(base + k * CC, CC), :])
        plsc.subcore_barrier()

        def g_start(j, b):
            pltpu.make_async_copy(xs_sh.at[srcb.at[j]], bufs[b], sg[b]).start()

        def g_wait(j, b):
            pltpu.make_async_copy(xs_sh.at[srcb.at[j]], bufs[b], sg[b]).wait()

        def s_start(j, b):
            pltpu.async_copy(bufs[b], agg_sh.at[dstb.at[j]], ss[b], add=True)

        def s_wait(j, b):
            pltpu.make_async_copy(bufs[b], agg_sh.at[dstb.at[j]], ss[b]).wait()

        for seg in range(NSEG):
            srow = wrow + seg * segrows
            pltpu.sync_copy(src_hbm.at[pl.ds(srow, segrows)], srcb)
            pltpu.sync_copy(dst_hbm.at[pl.ds(srow, segrows)], dstb)

            for b in range(LA):
                g_start(b, b)

            def body(g, c):
                for b in range(NB):
                    j = g * NB + b
                    bp = (b + LA) % NB
                    g_wait(j, b)
                    s_start(j, b)
                    nxt = j + LA

                    @pl.when(nxt < segrows)
                    def _():
                        @pl.when(j >= LA)
                        def _():
                            s_wait(j - LA, bp)
                        g_start(nxt, bp)
                return c
            lax.fori_loop(0, segrows // NB, body, 0)
            for b in range(NB):
                s_wait(segrows - NB + b, b)

        plsc.subcore_barrier()
        for k in range(sl // CC):
            pltpu.sync_copy(agg_sh.at[pl.ds(base + k * CC, CC), :],
                            agg_out.at[cid, pl.ds(base + k * CC, CC), :])

    return agg_kernel


def _prep_kernel(degp_ref, x_ref, xsb_ref):
    deg = degp_ref[0] + degp_ref[1] + 1.0
    dinv = lax.rsqrt(deg)
    xsb_ref[...] = (x_ref[...] * dinv).astype(jnp.bfloat16)


def _self_kernel(degp_ref, x_ref, w_ref, o_ref):
    deg = degp_ref[0] + degp_ref[1] + 1.0
    dinv = lax.rsqrt(deg)
    pre = (dinv * dinv) * x_ref[...]
    o_ref[...] = jnp.dot(pre, w_ref[...], preferred_element_type=jnp.float32)


def _out_kernel(agg_ref, degp_ref, hs_ref, w_ref, b_ref, a_ref, o_ref):
    deg = degp_ref[0] + degp_ref[1] + 1.0
    dinv = lax.rsqrt(deg)
    aggf = agg_ref[0].astype(jnp.float32) + agg_ref[1].astype(jnp.float32)
    pre = dinv * aggf
    h = jnp.dot(pre, w_ref[...], preferred_element_type=jnp.float32)
    h = h + hs_ref[...] + b_ref[...]
    o_ref[...] = jnp.where(h >= 0.0, h, a_ref[...] * h)


def kernel(x, edge_index, W, b, alpha):
    n, din = x.shape
    e = edge_index.shape[1]
    dout = W.shape[1]
    assert din % 16 == 0
    npad = ((n + NS * 16 - 1) // (NS * 16)) * (NS * 16)
    assert npad > n
    epad = -(-e // (CC * NW * NB)) * (CC * NW * NB)
    rows = epad // CC
    rows_per_w = rows // NW

    pad_e = jnp.full((epad - e,), npad - 1, jnp.int32)
    src2 = jnp.concatenate([edge_index[0], pad_e]).reshape(rows, CC)
    dst2 = jnp.concatenate([edge_index[1], pad_e]).reshape(rows, CC)
    xpad = jnp.concatenate([x, jnp.zeros((npad - n, din), x.dtype)], axis=0)

    degp = _deg_call(npad, rows_per_w)(dst2)
    degp3 = degp.reshape(NC, npad, 1)

    xsb = pl.pallas_call(
        _prep_kernel,
        out_shape=jax.ShapeDtypeStruct((npad, din), jnp.bfloat16),
    )(degp3, xpad)

    aggp = _agg_call(npad, din, rows_per_w)(xsb, src2, dst2)

    blk = 640
    grid = ((n + blk - 1) // blk,)
    hself = pl.pallas_call(
        _self_kernel,
        grid=grid,
        in_specs=[
            pl.BlockSpec((NC, blk, 1), lambda i: (0, i, 0)),
            pl.BlockSpec((blk, din), lambda i: (i, 0)),
            pl.BlockSpec((din, dout), lambda i: (0, 0)),
        ],
        out_specs=pl.BlockSpec((blk, dout), lambda i: (i, 0)),
        out_shape=jax.ShapeDtypeStruct((n, dout), jnp.float32),
    )(degp3, xpad, W)

    out = pl.pallas_call(
        _out_kernel,
        grid=grid,
        in_specs=[
            pl.BlockSpec((NC, blk, din), lambda i: (0, i, 0)),
            pl.BlockSpec((NC, blk, 1), lambda i: (0, i, 0)),
            pl.BlockSpec((blk, dout), lambda i: (i, 0)),
            pl.BlockSpec((din, dout), lambda i: (0, 0)),
            pl.BlockSpec((1, dout), lambda i: (0, 0)),
            pl.BlockSpec((1, dout), lambda i: (0, 0)),
        ],
        out_specs=pl.BlockSpec((blk, dout), lambda i: (i, 0)),
        out_shape=jax.ShapeDtypeStruct((n, dout), jnp.float32),
    )(aggp, degp3, hself, W, b.reshape(1, dout), alpha.reshape(1, dout))
    return out

# --- scband reference (transcript-rebuilt; emitter-appended) ---
"""Pipeline reference for scband-gcnnetwork-49271864819842 (READ-ONLY COPY).

The authoritative reference and input builder live on the scoring server;
editing this copy changes nothing except your own understanding.
"""

import jax, jax.numpy as jnp
import numpy as np

N = 10000
E = 320000
D_IN = 128
D_OUT = 512


def setup_inputs(seed: int = 0) -> dict:
    key = jax.random.key(seed)
    k1, k2, k3 = jax.random.split(key, 3)
    x = jax.random.normal(k1, (N, D_IN), dtype=jnp.float32)
    edge_index = jax.random.randint(k2, (2, E), 0, N, dtype=jnp.int32)
    # GCN dense kernel and bias (tf_geometric GCN: units=512, use_bias=True)
    W = jax.random.normal(k3, (D_IN, D_OUT), dtype=jnp.float32) * 0.05
    b = jnp.zeros((D_OUT,), dtype=jnp.float32)
    # Keras PReLU: per-channel alpha initialized to 0.25
    alpha = jnp.full((D_OUT,), 0.25, dtype=jnp.float32)
    return {"x": x, "edge_index": edge_index, "W": W, "b": b, "alpha": alpha}


def reference(x, edge_index, W, b, alpha):
    n = x.shape[0]
    src = edge_index[0]
    dst = edge_index[1]
    # add self-loops (renormalization trick: A_hat = A + I)
    sl = jnp.arange(n, dtype=src.dtype)
    src = jnp.concatenate([src, sl], axis=0)
    dst = jnp.concatenate([dst, sl], axis=0)
    ew = jnp.ones((src.shape[0],), dtype=x.dtype)
    # symmetric normalization D_hat^{-1/2} A_hat D_hat^{-1/2}
    deg = jnp.zeros((n,), dtype=x.dtype).at[dst].add(ew)
    deg_inv_sqrt = jnp.where(deg > 0, 1.0 / jnp.sqrt(deg), 0.0)
    norm = deg_inv_sqrt[src] * deg_inv_sqrt[dst]
    # linear transform then normalized aggregation (gather + scatter-add)
    h = x @ W
    msg = h[src] * norm[:, None]
    out = jnp.zeros((n, h.shape[1]), dtype=x.dtype).at[dst].add(msg)
    out = out + b
    # PReLU with per-channel alpha=0.25
    return jnp.where(out >= 0.0, out, alpha * out)

if __name__ == "__main__":
    import jax
    _d = setup_inputs()
    print(jax.jit(kernel)(*tuple(_d.values())))

</pallas_src>

<mosaic_0001>
#map = affine_map<(d0, d1) -> (0, 0)>
#map1 = affine_map<(d0, d1) -> (0)>
module attributes {stable_mosaic.version = 14 : i64} {
  func.func @deg_kernel(%arg0: i32, %arg1: i32, %arg2: memref<2560x128xi32, #tpu.memory_space<hbm>>, %arg3: memref<20480xf32, #tpu.memory_space<hbm>>, %arg4: memref<80x128xi32, #tpu.memory_space<vmem>>, %arg5: memref<128xf32, #tpu.memory_space<vmem>>, %arg6: memref<640xf32, #tpu.memory_space<vmem>>, %arg7: memref<10240xf32, #tpu.memory_space<vmem_shared>>) attributes {dimension_semantics = [#tpu.dimension_semantics<core_parallel>, #tpu.dimension_semantics<subcore_parallel>], iteration_bounds = array<i64: 2, 16>, scalar_prefetch = 0 : i64, scratch_operands = 4 : i64, tpu.core_type = #tpu.core_type<sc_vector_subcore>, window_params = [{transform_indices = #map}, {transform_indices = #map1}]} {
    %broadcast_in_dim3A = arith.constant 0.000000e+00 : f32
    %broadcast_in_dim3A_0 = vector.broadcast %broadcast_in_dim3A : f32 to vector<16xf32>
    %broadcast_in_dim3A_1 = arith.constant 1.000000e+00 : f32
    %broadcast_in_dim3A_2 = vector.broadcast %broadcast_in_dim3A_1 : f32 to vector<16xf32>
    %scan3A = arith.constant 0 : i32
    %scan3A_3 = arith.constant 0 : i32
    %scan3A_4 = arith.constant 40 : i32
    %scan3A_5 = arith.addi %scan3A_3, %scan3A_4 : i32
    %scan3A_6 = arith.constant 1 : i32
    scf.for %scan3A_54 = %scan3A_3 to %scan3A_5 step %scan3A_6  : i32 {
      %mul3A_55 = arith.constant 16 : i32
      %mul3A_56 = arith.muli %scan3A_54, %mul3A_55 : i32
      %swap3A_57 = arith.index_cast %mul3A_56 : i32 to index
      %swap3A_58 = tpu.vector_load %arg6[%swap3A_57] {strides = array<i32>} : memref<640xf32, #tpu.memory_space<vmem>>, vector<16xf32>,
      %swap3A_59 = vector.shape_cast %swap3A_58 : vector<16xf32> to vector<16xf32>
      %swap3A_60 = vector.shape_cast %broadcast_in_dim3A_0 : vector<16xf32> to vector<16xf32>
      tpu.vector_store %arg6[%swap3A_57], %swap3A_60 {strides = array<i32>} : memref<640xf32, #tpu.memory_space<vmem>>, vector<16xf32>,
    }
    %scan3A_7 = arith.constant 40 : i32
    %swap3A = arith.constant 0 : index
    %swap3A_8 = tpu.vector_load %arg5[%swap3A] {strides = array<i32>} : memref<128xf32, #tpu.memory_space<vmem>>, vector<16xf32>,
    %swap3A_9 = vector.shape_cast %swap3A_8 : vector<16xf32> to vector<16xf32>
    %swap3A_10 = vector.shape_cast %broadcast_in_dim3A_2 : vector<16xf32> to vector<16xf32>
    tpu.vector_store %arg5[%swap3A], %swap3A_10 {strides = array<i32>} : memref<128xf32, #tpu.memory_space<vmem>>, vector<16xf32>,
    %swap3A_11 = arith.constant 16 : index
    %swap3A_12 = tpu.vector_load %arg5[%swap3A_11] {strides = array<i32>} : memref<128xf32, #tpu.memory_space<vmem>>, vector<16xf32>,
    %swap3A_13 = vector.shape_cast %swap3A_12 : vector<16xf32> to vector<16xf32>
    %swap3A_14 = vector.shape_cast %broadcast_in_dim3A_2 : vector<16xf32> to vector<16xf32>
    tpu.vector_store %arg5[%swap3A_11], %swap3A_14 {strides = array<i32>} : memref<128xf32, #tpu.memory_space<vmem>>, vector<16xf32>,
    %swap3A_15 = arith.constant 32 : index
    %swap3A_16 = tpu.vector_load %arg5[%swap3A_15] {strides = array<i32>} : memref<128xf32, #tpu.memory_space<vmem>>, vector<16xf32>,
    %swap3A_17 = vector.shape_cast %swap3A_16 : vector<16xf32> to vector<16xf32>
    %swap3A_18 = vector.shape_cast %broadcast_in_dim3A_2 : vector<16xf32> to vector<16xf32>
    tpu.vector_store %arg5[%swap3A_15], %swap3A_18 {strides = array<i32>} : memref<128xf32, #tpu.memory_space<vmem>>, vector<16xf32>,
    %swap3A_19 = arith.constant 48 : index
    %swap3A_20 = tpu.vector_load %arg5[%swap3A_19] {strides = array<i32>} : memref<128xf32, #tpu.memory_space<vmem>>, vector<16xf32>,
    %swap3A_21 = vector.shape_cast %swap3A_20 : vector<16xf32> to vector<16xf32>
    %swap3A_22 = vector.shape_cast %broadcast_in_dim3A_2 : vector<16xf32> to vector<16xf32>
    tpu.vector_store %arg5[%swap3A_19], %swap3A_22 {strides = array<i32>} : memref<128xf32, #tpu.memory_space<vmem>>, vector<16xf32>,
    %swap3A_23 = arith.constant 64 : index
    %swap3A_24 = tpu.vector_load %arg5[%swap3A_23] {strides = array<i32>} : memref<128xf32, #tpu.memory_space<vmem>>, vector<16xf32>,
    %swap3A_25 = vector.shape_cast %swap3A_24 : vector<16xf32> to vector<16xf32>
    %swap3A_26 = vector.shape_cast %broadcast_in_dim3A_2 : vector<16xf32> to vector<16xf32>
    tpu.vector_store %arg5[%swap3A_23], %swap3A_26 {strides = array<i32>} : memref<128xf32, #tpu.memory_space<vmem>>, vector<16xf32>,
    %swap3A_27 = arith.constant 80 : index
    %swap3A_28 = tpu.vector_load %arg5[%swap3A_27] {strides = array<i32>} : memref<128xf32, #tpu.memory_space<vmem>>, vector<16xf32>,
    %swap3A_29 = vector.shape_cast %swap3A_28 : vector<16xf32> to vector<16xf32>
    %swap3A_30 = vector.shape_cast %broadcast_in_dim3A_2 : vector<16xf32> to vector<16xf32>
    tpu.vector_store %arg5[%swap3A_27], %swap3A_30 {strides = array<i32>} : memref<128xf32, #tpu.memory_space<vmem>>, vector<16xf32>,
    %swap3A_31 = arith.constant 96 : index
    %swap3A_32 = tpu.vector_load %arg5[%swap3A_31] {strides = array<i32>} : memref<128xf32, #tpu.memory_space<vmem>>, vector<16xf32>,
    %swap3A_33 = vector.shape_cast %swap3A_32 : vector<16xf32> to vector<16xf32>
    %swap3A_34 = vector.shape_cast %broadcast_in_dim3A_2 : vector<16xf32> to vector<16xf32>
    tpu.vector_store %arg5[%swap3A_31], %swap3A_34 {strides = array<i32>} : memref<128xf32, #tpu.memory_space<vmem>>, vector<16xf32>,
    %swap3A_35 = arith.constant 112 : index
    %swap3A_36 = tpu.vector_load %arg5[%swap3A_35] {strides = array<i32>} : memref<128xf32, #tpu.memory_space<vmem>>, vector<16xf32>,
    %swap3A_37 = vector.shape_cast %swap3A_36 : vector<16xf32> to vector<16xf32>
    %swap3A_38 = vector.shape_cast %broadcast_in_dim3A_2 : vector<16xf32> to vector<16xf32>
    tpu.vector_store %arg5[%swap3A_35], %swap3A_38 {strides = array<i32>} : memref<128xf32, #tpu.memory_space<vmem>>, vector<16xf32>,
    %mul3A = arith.constant 640 : i32
    %mul3A_39 = arith.muli %arg1, %mul3A : i32
    "tpu.region"() ({
      %run_scoped3A = tpu.sem_alloc : memref<!tpu.dma_semaphore, #tpu.memory_space<semaphore_mem>>
      %dma_start3A = tpu.memref_slice %arg7[%mul3A_39] : memref<10240xf32, #tpu.memory_space<vmem_shared>> -> memref<640xf32, #tpu.memory_space<vmem_shared>>
      %dma_start3A_54 = tpu.memref_slice %arg7[%mul3A_39] : memref<10240xf32, #tpu.memory_space<vmem_shared>> -> memref<640xf32, #tpu.memory_space<vmem_shared>>
      tpu.enqueue_dma source(%arg6 : memref<640xf32, #tpu.memory_space<vmem>>) target(%dma_start3A_54 : memref<640xf32, #tpu.memory_space<vmem_shared>>) target_semaphore(%run_scoped3A : memref<!tpu.dma_semaphore, #tpu.memory_space<semaphore_mem>>)
      %dma_wait3A = tpu.memref_slice %arg7[%mul3A_39] : memref<10240xf32, #tpu.memory_space<vmem_shared>> -> memref<640xf32, #tpu.memory_space<vmem_shared>>
      %dma_wait3A_55 = tpu.memref_slice %arg7[%mul3A_39] : memref<10240xf32, #tpu.memory_space<vmem_shared>> -> memref<640xf32, #tpu.memory_space<vmem_shared>>
      tpu.wait_dma2 semaphore(%run_scoped3A : memref<!tpu.dma_semaphore, #tpu.memory_space<semaphore_mem>>) src(%arg6 : memref<640xf32, #tpu.memory_space<vmem>>) dst(%dma_wait3A_55 : memref<640xf32, #tpu.memory_space<vmem_shared>>)
      tpu.yield
    }) : () -> ()
    %barrier3A = arith.constant 0 : index
    tpu.barrier barrier_id(%barrier3A)
    %mul3A_40 = arith.constant 16 : i32
    %mul3A_41 = arith.muli %arg0, %mul3A_40 : i32
    %add3A = arith.addi %mul3A_41, %arg1 : i32
    %mul3A_42 = arith.constant 80 : i32
    %mul3A_43 = arith.muli %add3A, %mul3A_42 : i32
    "tpu.region"() ({
      %run_scoped3A = tpu.sem_alloc : memref<!tpu.dma_semaphore, #tpu.memory_space<semaphore_mem>>
      %dma_start3A = arith.constant 0 : i32
      %dma_start3A_54 = tpu.memref_slice %arg2[%mul3A_43, %dma_start3A] : memref<2560x128xi32, #tpu.memory_space<hbm>> -> memref<80x128xi32, #tpu.memory_space<hbm>>
      %dma_start3A_55 = arith.constant 0 : i32
      %dma_start3A_56 = tpu.memref_slice %arg2[%mul3A_43, %dma_start3A_55] : memref<2560x128xi32, #tpu.memory_space<hbm>> -> memref<80x128xi32, #tpu.memory_space<hbm>>
      tpu.enqueue_dma source(%dma_start3A_56 : memref<80x128xi32, #tpu.memory_space<hbm>>) target(%arg4 : memref<80x128xi32, #tpu.memory_space<vmem>>) target_semaphore(%run_scoped3A : memref<!tpu.dma_semaphore, #tpu.memory_space<semaphore_mem>>)
      %dma_wait3A = arith.constant 0 : i32
      %dma_wait3A_57 = tpu.memref_slice %arg2[%mul3A_43, %dma_wait3A] : memref<2560x128xi32, #tpu.memory_space<hbm>> -> memref<80x128xi32, #tpu.memory_space<hbm>>
      %dma_wait3A_58 = arith.constant 0 : i32
      %dma_wait3A_59 = tpu.memref_slice %arg2[%mul3A_43, %dma_wait3A_58] : memref<2560x128xi32, #tpu.memory_space<hbm>> -> memref<80x128xi32, #tpu.memory_space<hbm>>
      tpu.wait_dma2 semaphore(%run_scoped3A : memref<!tpu.dma_semaphore, #tpu.memory_space<semaphore_mem>>) src(%dma_wait3A_59 : memref<80x128xi32, #tpu.memory_space<hbm>>) dst(%arg4 : memref<80x128xi32, #tpu.memory_space<vmem>>)
      tpu.yield
    }) : () -> ()
    %scan3A_44 = arith.constant 0 : i32
    %scan3A_45 = arith.constant 0 : i32
    %scan3A_46 = arith.constant 80 : i32
    %scan3A_47 = arith.addi %scan3A_45, %scan3A_46 : i32
    %scan3A_48 = arith.constant 1 : i32
    scf.for %scan3A_54 = %scan3A_45 to %scan3A_47 step %scan3A_48  : i32 {
      "tpu.region"() ({
        %run_scoped3A = tpu.sem_alloc : memref<!tpu.dma_semaphore, #tpu.memory_space<semaphore_mem>>
        %dma_start3A = arith.constant 0 : i32
        %dma_start3A_55 = tpu.memref_slice %arg4[%scan3A_54, %dma_start3A] : memref<80x128xi32, #tpu.memory_space<vmem>> -> memref<1x128xi32, #tpu.memory_space<vmem>>
        %dma_start3A_56 = tpu.memref_squeeze %dma_start3A_55 : memref<1x128xi32, #tpu.memory_space<vmem>> -> memref<128xi32, #tpu.memory_space<vmem>>
        %dma_start3A_57 = arith.constant 0 : i32
        %dma_start3A_58 = tpu.memref_slice %arg7[%dma_start3A_57] : memref<10240xf32, #tpu.memory_space<vmem_shared>> -> memref<10240xf32, #tpu.memory_space<vmem_shared>>
        tpu.enqueue_indirect_dma source(%arg5 : memref<128xf32, #tpu.memory_space<vmem>>) target(%dma_start3A_58 : memref<10240xf32, #tpu.memory_space<vmem_shared>>) offsets(%dma_start3A_56 : memref<128xi32, #tpu.memory_space<vmem>>) semaphore(%run_scoped3A : memref<!tpu.dma_semaphore, #tpu.memory_space<semaphore_mem>>) {add = true}
        %dma_wait3A = arith.constant 0 : i32
        %dma_wait3A_59 = tpu.memref_slice %arg4[%scan3A_54, %dma_wait3A] : memref<80x128xi32, #tpu.memory_space<vmem>> -> memref<1x128xi32, #tpu.memory_space<vmem>>
        %dma_wait3A_60 = tpu.memref_squeeze %dma_wait3A_59 : memref<1x128xi32, #tpu.memory_space<vmem>> -> memref<128xi32, #tpu.memory_space<vmem>>
        %dma_wait3A_61 = arith.constant 0 : i32
        %dma_wait3A_62 = tpu.memref_slice %arg7[%dma_wait3A_61] : memref<10240xf32, #tpu.memory_space<vmem_shared>> -> memref<10240xf32, #tpu.memory_space<vmem_shared>>
        tpu.wait_indirect_dma semaphore(%run_scoped3A : memref<!tpu.dma_semaphore, #tpu.memory_space<semaphore_mem>>) src(%arg5 : memref<128xf32, #tpu.memory_space<vmem>>) dst(%dma_wait3A_62 : memref<10240xf32, #tpu.memory_space<vmem_shared>>)
        tpu.yield
      }) : () -> ()
    }
    %scan3A_49 = arith.constant 80 : i32
    %barrier3A_50 = arith.constant 0 : index
    tpu.barrier barrier_id(%barrier3A_50)
    %mul3A_51 = arith.constant 10240 : i32
    %mul3A_52 = arith.muli %arg0, %mul3A_51 : i32
    %add3A_53 = arith.addi %mul3A_52, %mul3A_39 : i32
    "tpu.region"() ({
      %run_scoped3A = tpu.sem_alloc : memref<!tpu.dma_semaphore, #tpu.memory_space<semaphore_mem>>
      %dma_start3A = tpu.memref_slice %arg3[%add3A_53] : memref<20480xf32, #tpu.memory_space<hbm>> -> memref<640xf32, #tpu.memory_space<hbm>>
      %dma_start3A_54 = tpu.memref_slice %arg7[%mul3A_39] : memref<10240xf32, #tpu.memory_space<vmem_shared>> -> memref<640xf32, #tpu.memory_space<vmem_shared>>
      tpu.enqueue_dma source(%dma_start3A_54 : memref<640xf32, #tpu.memory_space<vmem_shared>>) target(%dma_start3A : memref<640xf32, #tpu.memory_space<hbm>>) target_semaphore(%run_scoped3A : memref<!tpu.dma_semaphore, #tpu.memory_space<semaphore_mem>>)
      %dma_wait3A = tpu.memref_slice %arg3[%add3A_53] : memref<20480xf32, #tpu.memory_space<hbm>> -> memref<640xf32, #tpu.memory_space<hbm>>
      %dma_wait3A_55 = tpu.memref_slice %arg7[%mul3A_39] : memref<10240xf32, #tpu.memory_space<vmem_shared>> -> memref<640xf32, #tpu.memory_space<vmem_shared>>
      tpu.wait_dma2 semaphore(%run_scoped3A : memref<!tpu.dma_semaphore, #tpu.memory_space<semaphore_mem>>) src(%dma_wait3A_55 : memref<640xf32, #tpu.memory_space<vmem_shared>>) dst(%dma_wait3A : memref<640xf32, #tpu.memory_space<hbm>>)
      tpu.yield
    }) : () -> ()
    return
  }
}

#map = affine_map<(d0, d1) -> (0, 0)>
#map1 = affine_map<(d0, d1) -> (0, 0, 0)>
module attributes {stable_mosaic.version = 14 : i64} {
  func.func @agg_kernel(%arg0: i32, %arg1: i32, %arg2: memref<10240x128xbf16, #tpu.memory_space<hbm>>, %arg3: memref<2560x128xi32, #tpu.memory_space<hbm>>, %arg4: memref<2560x128xi32, #tpu.memory_space<hbm>>, %arg5: memref<2x10240x128xbf16, #tpu.memory_space<hbm>>, %arg6: memref<40x128xi32, #tpu.memory_space<vmem>>, %arg7: memref<40x128xi32, #tpu.memory_space<vmem>>, %arg8: memref<10240x128xbf16, #tpu.memory_space<vmem_shared>>, %arg9: memref<10240x128xbf16, #tpu.memory_space<vmem_shared>>, %arg10: memref<128x128xbf16, #tpu.memory_space<vmem>>, %arg11: memref<128x128xbf16, #tpu.memory_space<vmem>>, %arg12: memref<128x128xbf16, #tpu.memory_space<vmem>>, %arg13: memref<128x128xbf16, #tpu.memory_space<vmem>>, %arg14: memref<!tpu.dma_semaphore, #tpu.memory_space<semaphore_mem>>, %arg15: memref<!tpu.dma_semaphore, #tpu.memory_space<semaphore_mem>>, %arg16: memref<!tpu.dma_semaphore, #tpu.memory_space<semaphore_mem>>, %arg17: memref<!tpu.dma_semaphore, #tpu.memory_space<semaphore_mem>>, %arg18: memref<!tpu.dma_semaphore, #tpu.memory_space<semaphore_mem>>, %arg19: memref<!tpu.dma_semaphore, #tpu.memory_space<semaphore_mem>>, %arg20: memref<!tpu.dma_semaphore, #tpu.memory_space<semaphore_mem>>, %arg21: memref<!tpu.dma_semaphore, #tpu.memory_space<semaphore_mem>>) attributes {dimension_semantics = [#tpu.dimension_semantics<core_parallel>, #tpu.dimension_semantics<subcore_parallel>], iteration_bounds = array<i64: 2, 16>, scalar_prefetch = 0 : i64, scratch_operands = 16 : i64, tpu.core_type = #tpu.core_type<sc_vector_subcore>, window_params = [{transform_indices = #map}, {transform_indices = #map}, {transform_indices = #map}, {transform_indices = #map1}]} {
    %broadcast_in_dim3A = arith.constant 0.000000e+00 : bf16
    %broadcast_in_dim3A_0 = vector.broadcast %broadcast_in_dim3A : bf16 to vector<32xbf16>
    %mul3A = arith.constant 640 : i32
    %mul3A_1 = arith.muli %arg1, %mul3A : i32
    %mul3A_2 = arith.constant 16 : i32
    %mul3A_3 = arith.muli %arg0, %mul3A_2 : i32
    %add3A = arith.addi %mul3A_3, %arg1 : i32
    %mul3A_4 = arith.constant 80 : i32
    %mul3A_5 = arith.muli %add3A, %mul3A_4 : i32
    "tpu.region"() ({
      %run_scoped3A = tpu.sem_alloc : memref<!tpu.dma_semaphore, #tpu.memory_space<semaphore_mem>>
      %dma_start3A_140 = arith.constant 0 : i32
      %dma_start3A_141 = tpu.memref_slice %arg9[%mul3A_1, %dma_start3A_140] : memref<10240x128xbf16, #tpu.memory_space<vmem_shared>> -> memref<640x128xbf16, #tpu.memory_space<vmem_shared>>
      %dma_start3A_142 = arith.constant 0 : i32
      %dma_start3A_143 = tpu.memref_slice %arg2[%mul3A_1, %dma_start3A_142] : memref<10240x128xbf16, #tpu.memory_space<hbm>> -> memref<640x128xbf16, #tpu.memory_space<hbm>>
      tpu.enqueue_dma source(%dma_start3A_143 : memref<640x128xbf16, #tpu.memory_space<hbm>>) target(%dma_start3A_141 : memref<640x128xbf16, #tpu.memory_space<vmem_shared>>) target_semaphore(%run_scoped3A : memref<!tpu.dma_semaphore, #tpu.memory_space<semaphore_mem>>)
      %dma_wait3A_144 = arith.constant 0 : i32
      %dma_wait3A_145 = tpu.memref_slice %arg9[%mul3A_1, %dma_wait3A_144] : memref<10240x128xbf16, #tpu.memory_space<vmem_shared>> -> memref<640x128xbf16, #tpu.memory_space<vmem_shared>>
      %dma_wait3A_146 = arith.constant 0 : i32
      %dma_wait3A_147 = tpu.memref_slice %arg2[%mul3A_1, %dma_wait3A_146] : memref<10240x128xbf16, #tpu.memory_space<hbm>> -> memref<640x128xbf16, #tpu.memory_space<hbm>>
      tpu.wait_dma2 semaphore(%run_scoped3A : memref<!tpu.dma_semaphore, #tpu.memory_space<semaphore_mem>>) src(%dma_wait3A_147 : memref<640x128xbf16, #tpu.memory_space<hbm>>) dst(%dma_wait3A_145 : memref<640x128xbf16, #tpu.memory_space<vmem_shared>>)
      tpu.yield
    }) : () -> ()
    %scan3A = arith.constant 0 : i32
    %scan3A_6 = arith.constant 0 : i32
    %scan3A_7 = arith.constant 512 : i32
    %scan3A_8 = arith.addi %scan3A_6, %scan3A_7 : i32
    %scan3A_9 = arith.constant 1 : i32
    scf.for %scan3A_140 = %scan3A_6 to %scan3A_8 step %scan3A_9  : i32 {
      %jit3A = arith.constant 4 : i32
      %div3A = arith.divsi %scan3A_140, %jit3A : i32
      %sign3A = arith.constant 0 : i32
      %sign3A_141 = arith.cmpi sgt, %scan3A_140, %sign3A : i32
      %sign3A_142 = arith.extui %sign3A_141 : i1 to i32
      %sign3A_143 = arith.constant 0 : i32
      %sign3A_144 = arith.cmpi slt, %scan3A_140, %sign3A_143 : i32
      %sign3A_145 = arith.extui %sign3A_144 : i1 to i32
      %sign3A_146 = arith.subi %sign3A_142, %sign3A_145 : i32
      %sign3A_147 = arith.constant 0 : i32
      %sign3A_148 = arith.cmpi sgt, %jit3A, %sign3A_147 : i32
      %sign3A_149 = arith.extui %sign3A_148 : i1 to i32
      %sign3A_150 = arith.constant 0 : i32
      %sign3A_151 = arith.cmpi slt, %jit3A, %sign3A_150 : i32
      %sign3A_152 = arith.extui %sign3A_151 : i1 to i32
      %sign3A_153 = arith.subi %sign3A_149, %sign3A_152 : i32
      %ne3A = arith.cmpi ne, %sign3A_146, %sign3A_153 : i32
      %rem3A = arith.remsi %scan3A_140, %jit3A : i32
      %ne3A_154 = arith.constant 0 : i32
      %ne3A_155 = arith.cmpi ne, %rem3A, %ne3A_154 : i32
      %and3A = arith.andi %ne3A, %ne3A_155 : i1
      %sub3A = arith.constant 1 : i32
      %sub3A_156 = arith.subi %div3A, %sub3A : i32
      %select_n3A = arith.select %and3A, %sub3A_156, %div3A : i32
      %jit3A_157 = arith.constant 4 : i32
      %eq3A = arith.constant 0 : i32
      %eq3A_158 = arith.cmpi eq, %jit3A_157, %eq3A : i32
      %jit3A_159 = arith.constant 1 : i32
      %select_n3A_160 = arith.select %eq3A_158, %jit3A_159, %jit3A_157 : i32
      %rem3A_161 = arith.remsi %scan3A_140, %select_n3A_160 : i32
      %ne3A_162 = arith.constant 0 : i32
      %ne3A_163 = arith.cmpi ne, %rem3A_161, %ne3A_162 : i32
      %lt3A = arith.constant 0 : i32
      %lt3A_164 = arith.cmpi slt, %rem3A_161, %lt3A : i32
      %lt3A_165 = arith.constant 0 : i32
      %lt3A_166 = arith.cmpi slt, %select_n3A_160, %lt3A_165 : i32
      %ne3A_167 = arith.xori %lt3A_164, %lt3A_166 : i1
      %and3A_168 = arith.andi %ne3A_167, %ne3A_163 : i1
      %add3A_169 = arith.addi %rem3A_161, %select_n3A_160 : i32
      %select_n3A_170 = arith.select %and3A_168, %add3A_169, %rem3A_161 : i32
      %mul3A_171 = arith.constant 32 : i32
      %mul3A_172 = arith.muli %select_n3A_170, %mul3A_171 : i32
      %swap3A = arith.index_cast %select_n3A : i32 to index
      %swap3A_173 = arith.index_cast %mul3A_172 : i32 to index
      %swap3A_174 = tpu.vector_load %arg10[%swap3A, %swap3A_173] {strides = array<i32>} : memref<128x128xbf16, #tpu.memory_space<vmem>>, vector<1x32xbf16>,
      %swap3A_175 = vector.shape_cast %swap3A_174 : vector<1x32xbf16> to vector<32xbf16>
      %swap3A_176 = vector.shape_cast %broadcast_in_dim3A_0 : vector<32xbf16> to vector<1x32xbf16>
      tpu.vector_store %arg10[%swap3A, %swap3A_173], %swap3A_176 {strides = array<i32>} : memref<128x128xbf16, #tpu.memory_space<vmem>>, vector<1x32xbf16>,
    }
    %scan3A_10 = arith.constant 512 : i32
    %add3A_11 = arith.constant 0 : i32
    %add3A_12 = arith.addi %mul3A_1, %add3A_11 : i32
    "tpu.region"() ({
      %run_scoped3A = tpu.sem_alloc : memref<!tpu.dma_semaphore, #tpu.memory_space<semaphore_mem>>
      %dma_start3A_140 = arith.constant 0 : i32
      %dma_start3A_141 = tpu.memref_slice %arg8[%add3A_12, %dma_start3A_140] : memref<10240x128xbf16, #tpu.memory_space<vmem_shared>> -> memref<128x128xbf16, #tpu.memory_space<vmem_shared>>
      %dma_start3A_142 = arith.constant 0 : i32
      %dma_start3A_143 = tpu.memref_slice %arg8[%add3A_12, %dma_start3A_142] : memref<10240x128xbf16, #tpu.memory_space<vmem_shared>> -> memref<128x128xbf16, #tpu.memory_space<vmem_shared>>
      tpu.enqueue_dma source(%arg10 : memref<128x128xbf16, #tpu.memory_space<vmem>>) target(%dma_start3A_143 : memref<128x128xbf16, #tpu.memory_space<vmem_shared>>) target_semaphore(%run_scoped3A : memref<!tpu.dma_semaphore, #tpu.memory_space<semaphore_mem>>)
      %dma_wait3A_144 = arith.constant 0 : i32
      %dma_wait3A_145 = tpu.memref_slice %arg8[%add3A_12, %dma_wait3A_144] : memref<10240x128xbf16, #tpu.memory_space<vmem_shared>> -> memref<128x128xbf16, #tpu.memory_space<vmem_shared>>
      %dma_wait3A_146 = arith.constant 0 : i32
      %dma_wait3A_147 = tpu.memref_slice %arg8[%add3A_12, %dma_wait3A_146] : memref<10240x128xbf16, #tpu.memory_space<vmem_shared>> -> memref<128x128xbf16, #tpu.memory_space<vmem_shared>>
      tpu.wait_dma2 semaphore(%run_scoped3A : memref<!tpu.dma_semaphore, #tpu.memory_space<semaphore_mem>>) src(%arg10 : memref<128x128xbf16, #tpu.memory_space<vmem>>) dst(%dma_wait3A_147 : memref<128x128xbf16, #tpu.memory_space<vmem_shared>>)
      tpu.yield
    }) : () -> ()
    %add3A_13 = arith.constant 128 : i32
    %add3A_14 = arith.addi %mul3A_1, %add3A_13 : i32
    "tpu.region"() ({
      %run_scoped3A = tpu.sem_alloc : memref<!tpu.dma_semaphore, #tpu.memory_space<semaphore_mem>>
      %dma_start3A_140 = arith.constant 0 : i32
      %dma_start3A_141 = tpu.memref_slice %arg8[%add3A_14, %dma_start3A_140] : memref<10240x128xbf16, #tpu.memory_space<vmem_shared>> -> memref<128x128xbf16, #tpu.memory_space<vmem_shared>>
      %dma_start3A_142 = arith.constant 0 : i32
      %dma_start3A_143 = tpu.memref_slice %arg8[%add3A_14, %dma_start3A_142] : memref<10240x128xbf16, #tpu.memory_space<vmem_shared>> -> memref<128x128xbf16, #tpu.memory_space<vmem_shared>>
      tpu.enqueue_dma source(%arg10 : memref<128x128xbf16, #tpu.memory_space<vmem>>) target(%dma_start3A_143 : memref<128x128xbf16, #tpu.memory_space<vmem_shared>>) target_semaphore(%run_scoped3A : memref<!tpu.dma_semaphore, #tpu.memory_space<semaphore_mem>>)
      %dma_wait3A_144 = arith.constant 0 : i32
      %dma_wait3A_145 = tpu.memref_slice %arg8[%add3A_14, %dma_wait3A_144] : memref<10240x128xbf16, #tpu.memory_space<vmem_shared>> -> memref<128x128xbf16, #tpu.memory_space<vmem_shared>>
      %dma_wait3A_146 = arith.constant 0 : i32
      %dma_wait3A_147 = tpu.memref_slice %arg8[%add3A_14, %dma_wait3A_146] : memref<10240x128xbf16, #tpu.memory_space<vmem_shared>> -> memref<128x128xbf16, #tpu.memory_space<vmem_shared>>
      tpu.wait_dma2 semaphore(%run_scoped3A : memref<!tpu.dma_semaphore, #tpu.memory_space<semaphore_mem>>) src(%arg10 : memref<128x128xbf16, #tpu.memory_space<vmem>>) dst(%dma_wait3A_147 : memref<128x128xbf16, #tpu.memory_space<vmem_shared>>)
      tpu.yield
    }) : () -> ()
    %add3A_15 = arith.constant 256 : i32
    %add3A_16 = arith.addi %mul3A_1, %add3A_15 : i32
    "tpu.region"() ({
      %run_scoped3A = tpu.sem_alloc : memref<!tpu.dma_semaphore, #tpu.memory_space<semaphore_mem>>
      %dma_start3A_140 = arith.constant 0 : i32
      %dma_start3A_141 = tpu.memref_slice %arg8[%add3A_16, %dma_start3A_140] : memref<10240x128xbf16, #tpu.memory_space<vmem_shared>> -> memref<128x128xbf16, #tpu.memory_space<vmem_shared>>
      %dma_start3A_142 = arith.constant 0 : i32
      %dma_start3A_143 = tpu.memref_slice %arg8[%add3A_16, %dma_start3A_142] : memref<10240x128xbf16, #tpu.memory_space<vmem_shared>> -> memref<128x128xbf16, #tpu.memory_space<vmem_shared>>
      tpu.enqueue_dma source(%arg10 : memref<128x128xbf16, #tpu.memory_space<vmem>>) target(%dma_start3A_143 : memref<128x128xbf16, #tpu.memory_space<vmem_shared>>) target_semaphore(%run_scoped3A : memref<!tpu.dma_semaphore, #tpu.memory_space<semaphore_mem>>)
      %dma_wait3A_144 = arith.constant 0 : i32
      %dma_wait3A_145 = tpu.memref_slice %arg8[%add3A_16, %dma_wait3A_144] : memref<10240x128xbf16, #tpu.memory_space<vmem_shared>> -> memref<128x128xbf16, #tpu.memory_space<vmem_shared>>
      %dma_wait3A_146 = arith.constant 0 : i32
      %dma_wait3A_147 = tpu.memref_slice %arg8[%add3A_16, %dma_wait3A_146] : memref<10240x128xbf16, #tpu.memory_space<vmem_shared>> -> memref<128x128xbf16, #tpu.memory_space<vmem_shared>>
      tpu.wait_dma2 semaphore(%run_scoped3A : memref<!tpu.dma_semaphore, #tpu.memory_space<semaphore_mem>>) src(%arg10 : memref<128x128xbf16, #tpu.memory_space<vmem>>) dst(%dma_wait3A_147 : memref<128x128xbf16, #tpu.memory_space<vmem_shared>>)
      tpu.yield
    }) : () -> ()
    %add3A_17 = arith.constant 384 : i32
    %add3A_18 = arith.addi %mul3A_1, %add3A_17 : i32
    "tpu.region"() ({
      %run_scoped3A = tpu.sem_alloc : memref<!tpu.dma_semaphore, #tpu.memory_space<semaphore_mem>>
      %dma_start3A_140 = arith.constant 0 : i32
      %dma_start3A_141 = tpu.memref_slice %arg8[%add3A_18, %dma_start3A_140] : memref<10240x128xbf16, #tpu.memory_space<vmem_shared>> -> memref<128x128xbf16, #tpu.memory_space<vmem_shared>>
      %dma_start3A_142 = arith.constant 0 : i32
      %dma_start3A_143 = tpu.memref_slice %arg8[%add3A_18, %dma_start3A_142] : memref<10240x128xbf16, #tpu.memory_space<vmem_shared>> -> memref<128x128xbf16, #tpu.memory_space<vmem_shared>>
      tpu.enqueue_dma source(%arg10 : memref<128x128xbf16, #tpu.memory_space<vmem>>) target(%dma_start3A_143 : memref<128x128xbf16, #tpu.memory_space<vmem_shared>>) target_semaphore(%run_scoped3A : memref<!tpu.dma_semaphore, #tpu.memory_space<semaphore_mem>>)
      %dma_wait3A_144 = arith.constant 0 : i32
      %dma_wait3A_145 = tpu.memref_slice %arg8[%add3A_18, %dma_wait3A_144] : memref<10240x128xbf16, #tpu.memory_space<vmem_shared>> -> memref<128x128xbf16, #tpu.memory_space<vmem_shared>>
      %dma_wait3A_146 = arith.constant 0 : i32
      %dma_wait3A_147 = tpu.memref_slice %arg8[%add3A_18, %dma_wait3A_146] : memref<10240x128xbf16, #tpu.memory_space<vmem_shared>> -> memref<128x128xbf16, #tpu.memory_space<vmem_shared>>
      tpu.wait_dma2 semaphore(%run_scoped3A : memref<!tpu.dma_semaphore, #tpu.memory_space<semaphore_mem>>) src(%arg10 : memref<128x128xbf16, #tpu.memory_space<vmem>>) dst(%dma_wait3A_147 : memref<128x128xbf16, #tpu.memory_space<vmem_shared>>)
      tpu.yield
    }) : () -> ()
    %add3A_19 = arith.constant 512 : i32
    %add3A_20 = arith.addi %mul3A_1, %add3A_19 : i32
    "tpu.region"() ({
      %run_scoped3A = tpu.sem_alloc : memref<!tpu.dma_semaphore, #tpu.memory_space<semaphore_mem>>
      %dma_start3A_140 = arith.constant 0 : i32
      %dma_start3A_141 = tpu.memref_slice %arg8[%add3A_20, %dma_start3A_140] : memref<10240x128xbf16, #tpu.memory_space<vmem_shared>> -> memref<128x128xbf16, #tpu.memory_space<vmem_shared>>
      %dma_start3A_142 = arith.constant 0 : i32
      %dma_start3A_143 = tpu.memref_slice %arg8[%add3A_20, %dma_start3A_142] : memref<10240x128xbf16, #tpu.memory_space<vmem_shared>> -> memref<128x128xbf16, #tpu.memory_space<vmem_shared>>
      tpu.enqueue_dma source(%arg10 : memref<128x128xbf16, #tpu.memory_space<vmem>>) target(%dma_start3A_143 : memref<128x128xbf16, #tpu.memory_space<vmem_shared>>) target_semaphore(%run_scoped3A : memref<!tpu.dma_semaphore, #tpu.memory_space<semaphore_mem>>)
      %dma_wait3A_144 = arith.constant 0 : i32
      %dma_wait3A_145 = tpu.memref_slice %arg8[%add3A_20, %dma_wait3A_144] : memref<10240x128xbf16, #tpu.memory_space<vmem_shared>> -> memref<128x128xbf16, #tpu.memory_space<vmem_shared>>
      %dma_wait3A_146 = arith.constant 0 : i32
      %dma_wait3A_147 = tpu.memref_slice %arg8[%add3A_20, %dma_wait3A_146] : memref<10240x128xbf16, #tpu.memory_space<vmem_shared>> -> memref<128x128xbf16, #tpu.memory_space<vmem_shared>>
      tpu.wait_dma2 semaphore(%run_scoped3A : memref<!tpu.dma_semaphore, #tpu.memory_space<semaphore_mem>>) src(%arg10 : memref<128x128xbf16, #tpu.memory_space<vmem>>) dst(%dma_wait3A_147 : memref<128x128xbf16, #tpu.memory_space<vmem_shared>>)
      tpu.yield
    }) : () -> ()
    %barrier3A = arith.constant 0 : index
    tpu.barrier barrier_id(%barrier3A)
    %add3A_21 = arith.constant 0 : i32
    %add3A_22 = arith.addi %mul3A_5, %add3A_21 : i32
    "tpu.region"() ({
      %run_scoped3A = tpu.sem_alloc : memref<!tpu.dma_semaphore, #tpu.memory_space<semaphore_mem>>
      %dma_start3A_140 = arith.constant 0 : i32
      %dma_start3A_141 = tpu.memref_slice %arg3[%add3A_22, %dma_start3A_140] : memref<2560x128xi32, #tpu.memory_space<hbm>> -> memref<40x128xi32, #tpu.memory_space<hbm>>
      %dma_start3A_142 = arith.constant 0 : i32
      %dma_start3A_143 = tpu.memref_slice %arg3[%add3A_22, %dma_start3A_142] : memref<2560x128xi32, #tpu.memory_space<hbm>> -> memref<40x128xi32, #tpu.memory_space<hbm>>
      tpu.enqueue_dma source(%dma_start3A_143 : memref<40x128xi32, #tpu.memory_space<hbm>>) target(%arg6 : memref<40x128xi32, #tpu.memory_space<vmem>>) target_semaphore(%run_scoped3A : memref<!tpu.dma_semaphore, #tpu.memory_space<semaphore_mem>>)
      %dma_wait3A_144 = arith.constant 0 : i32
      %dma_wait3A_145 = tpu.memref_slice %arg3[%add3A_22, %dma_wait3A_144] : memref<2560x128xi32, #tpu.memory_space<hbm>> -> memref<40x128xi32, #tpu.memory_space<hbm>>
      %dma_wait3A_146 = arith.constant 0 : i32
      %dma_wait3A_147 = tpu.memref_slice %arg3[%add3A_22, %dma_wait3A_146] : memref<2560x128xi32, #tpu.memory_space<hbm>> -> memref<40x128xi32, #tpu.memory_space<hbm>>
      tpu.wait_dma2 semaphore(%run_scoped3A : memref<!tpu.dma_semaphore, #tpu.memory_space<semaphore_mem>>) src(%dma_wait3A_147 : memref<40x128xi32, #tpu.memory_space<hbm>>) dst(%arg6 : memref<40x128xi32, #tpu.memory_space<vmem>>)
      tpu.yield
    }) : () -> ()
    "tpu.region"() ({
      %run_scoped3A = tpu.sem_alloc : memref<!tpu.dma_semaphore, #tpu.memory_space<semaphore_mem>>
      %dma_start3A_140 = arith.constant 0 : i32
      %dma_start3A_141 = tpu.memref_slice %arg4[%add3A_22, %dma_start3A_140] : memref<2560x128xi32, #tpu.memory_space<hbm>> -> memref<40x128xi32, #tpu.memory_space<hbm>>
      %dma_start3A_142 = arith.constant 0 : i32
      %dma_start3A_143 = tpu.memref_slice %arg4[%add3A_22, %dma_start3A_142] : memref<2560x128xi32, #tpu.memory_space<hbm>> -> memref<40x128xi32, #tpu.memory_space<hbm>>
      tpu.enqueue_dma source(%dma_start3A_143 : memref<40x128xi32, #tpu.memory_space<hbm>>) target(%arg7 : memref<40x128xi32, #tpu.memory_space<vmem>>) target_semaphore(%run_scoped3A : memref<!tpu.dma_semaphore, #tpu.memory_space<semaphore_mem>>)
      %dma_wait3A_144 = arith.constant 0 : i32
      %dma_wait3A_145 = tpu.memref_slice %arg4[%add3A_22, %dma_wait3A_144] : memref<2560x128xi32, #tpu.memory_space<hbm>> -> memref<40x128xi32, #tpu.memory_space<hbm>>
      %dma_wait3A_146 = arith.constant 0 : i32
      %dma_wait3A_147 = tpu.memref_slice %arg4[%add3A_22, %dma_wait3A_146] : memref<2560x128xi32, #tpu.memory_space<hbm>> -> memref<40x128xi32, #tpu.memory_space<hbm>>
      tpu.wait_dma2 semaphore(%run_scoped3A : memref<!tpu.dma_semaphore, #tpu.memory_space<semaphore_mem>>) src(%dma_wait3A_147 : memref<40x128xi32, #tpu.memory_space<hbm>>) dst(%arg7 : memref<40x128xi32, #tpu.memory_space<vmem>>)
      tpu.yield
    }) : () -> ()
    %dma_start3A = arith.constant 0 : i32
    %dma_start3A_23 = arith.constant 0 : i32
    %dma_start3A_24 = tpu.memref_slice %arg6[%dma_start3A, %dma_start3A_23] : memref<40x128xi32, #tpu.memory_space<vmem>> -> memref<1x128xi32, #tpu.memory_space<vmem>>
    %dma_start3A_25 = tpu.memref_squeeze %dma_start3A_24 : memref<1x128xi32, #tpu.memory_space<vmem>> -> memref<128xi32, #tpu.memory_space<vmem>>
    %dma_start3A_26 = arith.constant 0 : i32
    %dma_start3A_27 = arith.constant 0 : i32
    %dma_start3A_28 = tpu.memref_slice %arg9[%dma_start3A_26, %dma_start3A_27] : memref<10240x128xbf16, #tpu.memory_space<vmem_shared>> -> memref<10240x128xbf16, #tpu.memory_space<vmem_shared>>
    tpu.enqueue_indirect_dma source(%dma_start3A_28 : memref<10240x128xbf16, #tpu.memory_space<vmem_shared>>) target(%arg10 : memref<128x128xbf16, #tpu.memory_space<vmem>>) offsets(%dma_start3A_25 : memref<128xi32, #tpu.memory_space<vmem>>) semaphore(%arg14 : memref<!tpu.dma_semaphore, #tpu.memory_space<semaphore_mem>>)
    %dma_start3A_29 = arith.constant 1 : i32
    %dma_start3A_30 = arith.constant 0 : i32
    %dma_start3A_31 = tpu.memref_slice %arg6[%dma_start3A_29, %dma_start3A_30] : memref<40x128xi32, #tpu.memory_space<vmem>> -> memref<1x128xi32, #tpu.memory_space<vmem>>
    %dma_start3A_32 = tpu.memref_squeeze %dma_start3A_31 : memref<1x128xi32, #tpu.memory_space<vmem>> -> memref<128xi32, #tpu.memory_space<vmem>>
    %dma_start3A_33 = arith.constant 0 : i32
    %dma_start3A_34 = arith.constant 0 : i32
    %dma_start3A_35 = tpu.memref_slice %arg9[%dma_start3A_33, %dma_start3A_34] : memref<10240x128xbf16, #tpu.memory_space<vmem_shared>> -> memref<10240x128xbf16, #tpu.memory_space<vmem_shared>>
    tpu.enqueue_indirect_dma source(%dma_start3A_35 : memref<10240x128xbf16, #tpu.memory_space<vmem_shared>>) target(%arg11 : memref<128x128xbf16, #tpu.memory_space<vmem>>) offsets(%dma_start3A_32 : memref<128xi32, #tpu.memory_space<vmem>>) semaphore(%arg15 : memref<!tpu.dma_semaphore, #tpu.memory_space<semaphore_mem>>)
    %scan3A_36 = arith.constant 0 : i32
    %scan3A_37 = arith.constant 0 : i32
    %scan3A_38 = arith.constant 10 : i32
    %scan3A_39 = arith.addi %scan3A_37, %scan3A_38 : i32
    %scan3A_40 = arith.constant 1 : i32
    scf.for %scan3A_140 = %scan3A_37 to %scan3A_39 step %scan3A_40  : i32 {
      %mul3A_141 = arith.constant 4 : i32
      %mul3A_142 = arith.muli %scan3A_140, %mul3A_141 : i32
      %add3A_143 = arith.constant 0 : i32
      %add3A_144 = arith.addi %mul3A_142, %add3A_143 : i32
      %dma_wait3A_145 = arith.constant 0 : i32
      %dma_wait3A_146 = tpu.memref_slice %arg6[%add3A_144, %dma_wait3A_145] : memref<40x128xi32, #tpu.memory_space<vmem>> -> memref<1x128xi32, #tpu.memory_space<vmem>>
      %dma_wait3A_147 = tpu.memref_squeeze %dma_wait3A_146 : memref<1x128xi32, #tpu.memory_space<vmem>> -> memref<128xi32, #tpu.memory_space<vmem>>
      %dma_wait3A_148 = arith.constant 0 : i32
      %dma_wait3A_149 = arith.constant 0 : i32
      %dma_wait3A_150 = tpu.memref_slice %arg9[%dma_wait3A_148, %dma_wait3A_149] : memref<10240x128xbf16, #tpu.memory_space<vmem_shared>> -> memref<10240x128xbf16, #tpu.memory_space<vmem_shared>>
      tpu.wait_indirect_dma semaphore(%arg14 : memref<!tpu.dma_semaphore, #tpu.memory_space<semaphore_mem>>) src(%dma_wait3A_150 : memref<10240x128xbf16, #tpu.memory_space<vmem_shared>>) dst(%arg10 : memref<128x128xbf16, #tpu.memory_space<vmem>>)
      %dma_start3A_151 = arith.constant 0 : i32
      %dma_start3A_152 = tpu.memref_slice %arg7[%add3A_144, %dma_start3A_151] : memref<40x128xi32, #tpu.memory_space<vmem>> -> memref<1x128xi32, #tpu.memory_space<vmem>>
      %dma_start3A_153 = tpu.memref_squeeze %dma_start3A_152 : memref<1x128xi32, #tpu.memory_space<vmem>> -> memref<128xi32, #tpu.memory_space<vmem>>
      %dma_start3A_154 = arith.constant 0 : i32
      %dma_start3A_155 = arith.constant 0 : i32
      %dma_start3A_156 = tpu.memref_slice %arg8[%dma_start3A_154, %dma_start3A_155] : memref<10240x128xbf16, #tpu.memory_space<vmem_shared>> -> memref<10240x128xbf16, #tpu.memory_space<vmem_shared>>
      tpu.enqueue_indirect_dma source(%arg10 : memref<128x128xbf16, #tpu.memory_space<vmem>>) target(%dma_start3A_156 : memref<10240x128xbf16, #tpu.memory_space<vmem_shared>>) offsets(%dma_start3A_153 : memref<128xi32, #tpu.memory_space<vmem>>) semaphore(%arg18 : memref<!tpu.dma_semaphore, #tpu.memory_space<semaphore_mem>>) {add = true}
      %add3A_157 = arith.constant 2 : i32
      %add3A_158 = arith.addi %add3A_144, %add3A_157 : i32
      %lt3A = arith.constant 40 : i32
      %lt3A_159 = arith.cmpi slt, %add3A_158, %lt3A : i32
      %convert_element_type3A = arith.extui %lt3A_159 : i1 to i32
      %cond3A = arith.constant 0 : i32
      %cond3A_160 = arith.cmpi ne, %convert_element_type3A, %cond3A : i32
      scf.if %cond3A_160 {
        %ge3A = arith.constant 2 : i32
        %ge3A_230 = arith.cmpi sge, %add3A_144, %ge3A : i32
        %convert_element_type3A_231 = arith.extui %ge3A_230 : i1 to i32
        %cond3A_232 = arith.constant 0 : i32
        %cond3A_233 = arith.cmpi ne, %convert_element_type3A_231, %cond3A_232 : i32
        scf.if %cond3A_233 {
          %sub3A = arith.constant 2 : i32
          %sub3A_240 = arith.subi %add3A_144, %sub3A : i32
          %dma_wait3A_241 = arith.constant 0 : i32
          %dma_wait3A_242 = tpu.memref_slice %arg7[%sub3A_240, %dma_wait3A_241] : memref<40x128xi32, #tpu.memory_space<vmem>> -> memref<1x128xi32, #tpu.memory_space<vmem>>
          %dma_wait3A_243 = tpu.memref_squeeze %dma_wait3A_242 : memref<1x128xi32, #tpu.memory_space<vmem>> -> memref<128xi32, #tpu.memory_space<vmem>>
          %dma_wait3A_244 = arith.constant 0 : i32
          %dma_wait3A_245 = arith.constant 0 : i32
          %dma_wait3A_246 = tpu.memref_slice %arg8[%dma_wait3A_244, %dma_wait3A_245] : memref<10240x128xbf16, #tpu.memory_space<vmem_shared>> -> memref<10240x128xbf16, #tpu.memory_space<vmem_shared>>
          tpu.wait_indirect_dma semaphore(%arg20 : memref<!tpu.dma_semaphore, #tpu.memory_space<semaphore_mem>>) src(%arg12 : memref<128x128xbf16, #tpu.memory_space<vmem>>) dst(%dma_wait3A_246 : memref<10240x128xbf16, #tpu.memory_space<vmem_shared>>)
        } else {
        }
        %dma_start3A_234 = arith.constant 0 : i32
        %dma_start3A_235 = tpu.memref_slice %arg6[%add3A_158, %dma_start3A_234] : memref<40x128xi32, #tpu.memory_space<vmem>> -> memref<1x128xi32, #tpu.memory_space<vmem>>
        %dma_start3A_236 = tpu.memref_squeeze %dma_start3A_235 : memref<1x128xi32, #tpu.memory_space<vmem>> -> memref<128xi32, #tpu.memory_space<vmem>>
        %dma_start3A_237 = arith.constant 0 : i32
        %dma_start3A_238 = arith.constant 0 : i32
        %dma_start3A_239 = tpu.memref_slice %arg9[%dma_start3A_237, %dma_start3A_238] : memref<10240x128xbf16, #tpu.memory_space<vmem_shared>> -> memref<10240x128xbf16, #tpu.memory_space<vmem_shared>>
        tpu.enqueue_indirect_dma source(%dma_start3A_239 : memref<10240x128xbf16, #tpu.memory_space<vmem_shared>>) target(%arg12 : memref<128x128xbf16, #tpu.memory_space<vmem>>) offsets(%dma_start3A_236 : memref<128xi32, #tpu.memory_space<vmem>>) semaphore(%arg16 : memref<!tpu.dma_semaphore, #tpu.memory_space<semaphore_mem>>)
      } else {
      }
      %mul3A_161 = arith.constant 4 : i32
      %mul3A_162 = arith.muli %scan3A_140, %mul3A_161 : i32
      %add3A_163 = arith.constant 1 : i32
      %add3A_164 = arith.addi %mul3A_162, %add3A_163 : i32
      %dma_wait3A_165 = arith.constant 0 : i32
      %dma_wait3A_166 = tpu.memref_slice %arg6[%add3A_164, %dma_wait3A_165] : memref<40x128xi32, #tpu.memory_space<vmem>> -> memref<1x128xi32, #tpu.memory_space<vmem>>
      %dma_wait3A_167 = tpu.memref_squeeze %dma_wait3A_166 : memref<1x128xi32, #tpu.memory_space<vmem>> -> memref<128xi32, #tpu.memory_space<vmem>>
      %dma_wait3A_168 = arith.constant 0 : i32
      %dma_wait3A_169 = arith.constant 0 : i32
      %dma_wait3A_170 = tpu.memref_slice %arg9[%dma_wait3A_168, %dma_wait3A_169] : memref<10240x128xbf16, #tpu.memory_space<vmem_shared>> -> memref<10240x128xbf16, #tpu.memory_space<vmem_shared>>
      tpu.wait_indirect_dma semaphore(%arg15 : memref<!tpu.dma_semaphore, #tpu.memory_space<semaphore_mem>>) src(%dma_wait3A_170 : memref<10240x128xbf16, #tpu.memory_space<vmem_shared>>) dst(%arg11 : memref<128x128xbf16, #tpu.memory_space<vmem>>)
      %dma_start3A_171 = arith.constant 0 : i32
      %dma_start3A_172 = tpu.memref_slice %arg7[%add3A_164, %dma_start3A_171] : memref<40x128xi32, #tpu.memory_space<vmem>> -> memref<1x128xi32, #tpu.memory_space<vmem>>
      %dma_start3A_173 = tpu.memref_squeeze %dma_start3A_172 : memref<1x128xi32, #tpu.memory_space<vmem>> -> memref<128xi32, #tpu.memory_space<vmem>>
      %dma_start3A_174 = arith.constant 0 : i32
      %dma_start3A_175 = arith.constant 0 : i32
      %dma_start3A_176 = tpu.memref_slice %arg8[%dma_start3A_174, %dma_start3A_175] : memref<10240x128xbf16, #tpu.memory_space<vmem_shared>> -> memref<10240x128xbf16, #tpu.memory_space<vmem_shared>>
      tpu.enqueue_indirect_dma source(%arg11 : memref<128x128xbf16, #tpu.memory_space<vmem>>) target(%dma_start3A_176 : memref<10240x128xbf16, #tpu.memory_space<vmem_shared>>) offsets(%dma_start3A_173 : memref<128xi32, #tpu.memory_space<vmem>>) semaphore(%arg19 : memref<!tpu.dma_semaphore, #tpu.memory_space<semaphore_mem>>) {add = true}
      %add3A_177 = arith.constant 2 : i32
      %add3A_178 = arith.addi %add3A_164, %add3A_177 : i32
      %lt3A_179 = arith.constant 40 : i32
      %lt3A_180 = arith.cmpi slt, %add3A_178, %lt3A_179 : i32
      %convert_element_type3A_181 = arith.extui %lt3A_180 : i1 to i32
      %cond3A_182 = arith.constant 0 : i32
      %cond3A_183 = arith.cmpi ne, %convert_element_type3A_181, %cond3A_182 : i32
      scf.if %cond3A_183 {
        %ge3A = arith.constant 2 : i32
        %ge3A_230 = arith.cmpi sge, %add3A_164, %ge3A : i32
        %convert_element_type3A_231 = arith.extui %ge3A_230 : i1 to i32
        %cond3A_232 = arith.constant 0 : i32
        %cond3A_233 = arith.cmpi ne, %convert_element_type3A_231, %cond3A_232 : i32
        scf.if %cond3A_233 {
          %sub3A = arith.constant 2 : i32
          %sub3A_240 = arith.subi %add3A_164, %sub3A : i32
          %dma_wait3A_241 = arith.constant 0 : i32
          %dma_wait3A_242 = tpu.memref_slice %arg7[%sub3A_240, %dma_wait3A_241] : memref<40x128xi32, #tpu.memory_space<vmem>> -> memref<1x128xi32, #tpu.memory_space<vmem>>
          %dma_wait3A_243 = tpu.memref_squeeze %dma_wait3A_242 : memref<1x128xi32, #tpu.memory_space<vmem>> -> memref<128xi32, #tpu.memory_space<vmem>>
          %dma_wait3A_244 = arith.constant 0 : i32
          %dma_wait3A_245 = arith.constant 0 : i32
          %dma_wait3A_246 = tpu.memref_slice %arg8[%dma_wait3A_244, %dma_wait3A_245] : memref<10240x128xbf16, #tpu.memory_space<vmem_shared>> -> memref<10240x128xbf16, #tpu.memory_space<vmem_shared>>
          tpu.wait_indirect_dma semaphore(%arg21 : memref<!tpu.dma_semaphore, #tpu.memory_space<semaphore_mem>>) src(%arg13 : memref<128x128xbf16, #tpu.memory_space<vmem>>) dst(%dma_wait3A_246 : memref<10240x128xbf16, #tpu.memory_space<vmem_shared>>)
        } else {
        }
        %dma_start3A_234 = arith.constant 0 : i32
        %dma_start3A_235 = tpu.memref_slice %arg6[%add3A_178, %dma_start3A_234] : memref<40x128xi32, #tpu.memory_space<vmem>> -> memref<1x128xi32, #tpu.memory_space<vmem>>
        %dma_start3A_236 = tpu.memref_squeeze %dma_start3A_235 : memref<1x128xi32, #tpu.memory_space<vmem>> -> memref<128xi32, #tpu.memory_space<vmem>>
        %dma_start3A_237 = arith.constant 0 : i32
        %dma_start3A_238 = arith.constant 0 : i32
        %dma_start3A_239 = tpu.memref_slice %arg9[%dma_start3A_237, %dma_start3A_238] : memref<10240x128xbf16, #tpu.memory_space<vmem_shared>> -> memref<10240x128xbf16, #tpu.memory_space<vmem_shared>>
        tpu.enqueue_indirect_dma source(%dma_start3A_239 : memref<10240x128xbf16, #tpu.memory_space<vmem_shared>>) target(%arg13 : memref<128x128xbf16, #tpu.memory_space<vmem>>) offsets(%dma_start3A_236 : memref<128xi32, #tpu.memory_space<vmem>>) semaphore(%arg17 : memref<!tpu.dma_semaphore, #tpu.memory_space<semaphore_mem>>)
      } else {
      }
      %mul3A_184 = arith.constant 4 : i32
      %mul3A_185 = arith.muli %scan3A_140, %mul3A_184 : i32
      %add3A_186 = arith.constant 2 : i32
      %add3A_187 = arith.addi %mul3A_185, %add3A_186 : i32
      %dma_wait3A_188 = arith.constant 0 : i32
      %dma_wait3A_189 = tpu.memref_slice %arg6[%add3A_187, %dma_wait3A_188] : memref<40x128xi32, #tpu.memory_space<vmem>> -> memref<1x128xi32, #tpu.memory_space<vmem>>
      %dma_wait3A_190 = tpu.memref_squeeze %dma_wait3A_189 : memref<1x128xi32, #tpu.memory_space<vmem>> -> memref<128xi32, #tpu.memory_space<vmem>>
      %dma_wait3A_191 = arith.constant 0 : i32
      %dma_wait3A_192 = arith.constant 0 : i32
      %dma_wait3A_193 = tpu.memref_slice %arg9[%dma_wait3A_191, %dma_wait3A_192] : memref<10240x128xbf16, #tpu.memory_space<vmem_shared>> -> memref<10240x128xbf16, #tpu.memory_space<vmem_shared>>
      tpu.wait_indirect_dma semaphore(%arg16 : memref<!tpu.dma_semaphore, #tpu.memory_space<semaphore_mem>>) src(%dma_wait3A_193 : memref<10240x128xbf16, #tpu.memory_space<vmem_shared>>) dst(%arg12 : memref<128x128xbf16, #tpu.memory_space<vmem>>)
      %dma_start3A_194 = arith.constant 0 : i32
      %dma_start3A_195 = tpu.memref_slice %arg7[%add3A_187, %dma_start3A_194] : memref<40x128xi32, #tpu.memory_space<vmem>> -> memref<1x128xi32, #tpu.memory_space<vmem>>
      %dma_start3A_196 = tpu.memref_squeeze %dma_start3A_195 : memref<1x128xi32, #tpu.memory_space<vmem>> -> memref<128xi32, #tpu.memory_space<vmem>>
      %dma_start3A_197 = arith.constant 0 : i32
      %dma_start3A_198 = arith.constant 0 : i32
      %dma_start3A_199 = tpu.memref_slice %arg8[%dma_start3A_197, %dma_start3A_198] : memref<10240x128xbf16, #tpu.memory_space<vmem_shared>> -> memref<10240x128xbf16, #tpu.memory_space<vmem_shared>>
      tpu.enqueue_indirect_dma source(%arg12 : memref<128x128xbf16, #tpu.memory_space<vmem>>) target(%dma_start3A_199 : memref<10240x128xbf16, #tpu.memory_space<vmem_shared>>) offsets(%dma_start3A_196 : memref<128xi32, #tpu.memory_space<vmem>>) semaphore(%arg20 : memref<!tpu.dma_semaphore, #tpu.memory_space<semaphore_mem>>) {add = true}
      %add3A_200 = arith.constant 2 : i32
      %add3A_201 = arith.addi %add3A_187, %add3A_200 : i32
      %lt3A_202 = arith.constant 40 : i32
      %lt3A_203 = arith.cmpi slt, %add3A_201, %lt3A_202 : i32
      %convert_element_type3A_204 = arith.extui %lt3A_203 : i1 to i32
      %cond3A_205 = arith.constant 0 : i32
      %cond3A_206 = arith.cmpi ne, %convert_element_type3A_204, %cond3A_205 : i32
      scf.if %cond3A_206 {
        %ge3A = arith.constant 2 : i32
        %ge3A_230 = arith.cmpi sge, %add3A_187, %ge3A : i32
        %convert_element_type3A_231 = arith.extui %ge3A_230 : i1 to i32
        %cond3A_232 = arith.constant 0 : i32
        %cond3A_233 = arith.cmpi ne, %convert_element_type3A_231, %cond3A_232 : i32
        scf.if %cond3A_233 {
          %sub3A = arith.constant 2 : i32
          %sub3A_240 = arith.subi %add3A_187, %sub3A : i32
          %dma_wait3A_241 = arith.constant 0 : i32
          %dma_wait3A_242 = tpu.memref_slice %arg7[%sub3A_240, %dma_wait3A_241] : memref<40x128xi32, #tpu.memory_space<vmem>> -> memref<1x128xi32, #tpu.memory_space<vmem>>
          %dma_wait3A_243 = tpu.memref_squeeze %dma_wait3A_242 : memref<1x128xi32, #tpu.memory_space<vmem>> -> memref<128xi32, #tpu.memory_space<vmem>>
          %dma_wait3A_244 = arith.constant 0 : i32
          %dma_wait3A_245 = arith.constant 0 : i32
          %dma_wait3A_246 = tpu.memref_slice %arg8[%dma_wait3A_244, %dma_wait3A_245] : memref<10240x128xbf16, #tpu.memory_space<vmem_shared>> -> memref<10240x128xbf16, #tpu.memory_space<vmem_shared>>
          tpu.wait_indirect_dma semaphore(%arg18 : memref<!tpu.dma_semaphore, #tpu.memory_space<semaphore_mem>>) src(%arg10 : memref<128x128xbf16, #tpu.memory_space<vmem>>) dst(%dma_wait3A_246 : memref<10240x128xbf16, #tpu.memory_space<vmem_shared>>)
        } else {
        }
        %dma_start3A_234 = arith.constant 0 : i32
        %dma_start3A_235 = tpu.memref_slice %arg6[%add3A_201, %dma_start3A_234] : memref<40x128xi32, #tpu.memory_space<vmem>> -> memref<1x128xi32, #tpu.memory_space<vmem>>
        %dma_start3A_236 = tpu.memref_squeeze %dma_start3A_235 : memref<1x128xi32, #tpu.memory_space<vmem>> -> memref<128xi32, #tpu.memory_space<vmem>>
        %dma_start3A_237 = arith.constant 0 : i32
        %dma_start3A_238 = arith.constant 0 : i32
        %dma_start3A_239 = tpu.memref_slice %arg9[%dma_start3A_237, %dma_start3A_238] : memref<10240x128xbf16, #tpu.memory_space<vmem_shared>> -> memref<10240x128xbf16, #tpu.memory_space<vmem_shared>>
        tpu.enqueue_indirect_dma source(%dma_start3A_239 : memref<10240x128xbf16, #tpu.memory_space<vmem_shared>>) target(%arg10 : memref<128x128xbf16, #tpu.memory_space<vmem>>) offsets(%dma_start3A_236 : memref<128xi32, #tpu.memory_space<vmem>>) semaphore(%arg14 : memref<!tpu.dma_semaphore, #tpu.memory_space<semaphore_mem>>)
      } else {
      }
      %mul3A_207 = arith.constant 4 : i32
      %mul3A_208 = arith.muli %scan3A_140, %mul3A_207 : i32
      %add3A_209 = arith.constant 3 : i32
      %add3A_210 = arith.addi %mul3A_208, %add3A_209 : i32
      %dma_wait3A_211 = arith.constant 0 : i32
      %dma_wait3A_212 = tpu.memref_slice %arg6[%add3A_210, %dma_wait3A_211] : memref<40x128xi32, #tpu.memory_space<vmem>> -> memref<1x128xi32, #tpu.memory_space<vmem>>
      %dma_wait3A_213 = tpu.memref_squeeze %dma_wait3A_212 : memref<1x128xi32, #tpu.memory_space<vmem>> -> memref<128xi32, #tpu.memory_space<vmem>>
      %dma_wait3A_214 = arith.constant 0 : i32
      %dma_wait3A_215 = arith.constant 0 : i32
      %dma_wait3A_216 = tpu.memref_slice %arg9[%dma_wait3A_214, %dma_wait3A_215] : memref<10240x128xbf16, #tpu.memory_space<vmem_shared>> -> memref<10240x128xbf16, #tpu.memory_space<vmem_shared>>
      tpu.wait_indirect_dma semaphore(%arg17 : memref<!tpu.dma_semaphore, #tpu.memory_space<semaphore_mem>>) src(%dma_wait3A_216 : memref<10240x128xbf16, #tpu.memory_space<vmem_shared>>) dst(%arg13 : memref<128x128xbf16, #tpu.memory_space<vmem>>)
      %dma_start3A_217 = arith.constant 0 : i32
      %dma_start3A_218 = tpu.memref_slice %arg7[%add3A_210, %dma_start3A_217] : memref<40x128xi32, #tpu.memory_space<vmem>> -> memref<1x128xi32, #tpu.memory_space<vmem>>
      %dma_start3A_219 = tpu.memref_squeeze %dma_start3A_218 : memref<1x128xi32, #tpu.memory_space<vmem>> -> memref<128xi32, #tpu.memory_space<vmem>>
      %dma_start3A_220 = arith.constant 0 : i32
      %dma_start3A_221 = arith.constant 0 : i32
      %dma_start3A_222 = tpu.memref_slice %arg8[%dma_start3A_220, %dma_start3A_221] : memref<10240x128xbf16, #tpu.memory_space<vmem_shared>> -> memref<10240x128xbf16, #tpu.memory_space<vmem_shared>>
      tpu.enqueue_indirect_dma source(%arg13 : memref<128x128xbf16, #tpu.memory_space<vmem>>) target(%dma_start3A_222 : memref<10240x128xbf16, #tpu.memory_space<vmem_shared>>) offsets(%dma_start3A_219 : memref<128xi32, #tpu.memory_space<vmem>>) semaphore(%arg21 : memref<!tpu.dma_semaphore, #tpu.memory_space<semaphore_mem>>) {add = true}
      %add3A_223 = arith.constant 2 : i32
      %add3A_224 = arith.addi %add3A_210, %add3A_223 : i32
      %lt3A_225 = arith.constant 40 : i32
      %lt3A_226 = arith.cmpi slt, %add3A_224, %lt3A_225 : i32
      %convert_element_type3A_227 = arith.extui %lt3A_226 : i1 to i32
      %cond3A_228 = arith.constant 0 : i32
      %cond3A_229 = arith.cmpi ne, %convert_element_type3A_227, %cond3A_228 : i32
      scf.if %cond3A_229 {
        %ge3A = arith.constant 2 : i32
        %ge3A_230 = arith.cmpi sge, %add3A_210, %ge3A : i32
        %convert_element_type3A_231 = arith.extui %ge3A_230 : i1 to i32
        %cond3A_232 = arith.constant 0 : i32
        %cond3A_233 = arith.cmpi ne, %convert_element_type3A_231, %cond3A_232 : i32
        scf.if %cond3A_233 {
          %sub3A = arith.constant 2 : i32
          %sub3A_240 = arith.subi %add3A_210, %sub3A : i32
          %dma_wait3A_241 = arith.constant 0 : i32
          %dma_wait3A_242 = tpu.memref_slice %arg7[%sub3A_240, %dma_wait3A_241] : memref<40x128xi32, #tpu.memory_space<vmem>> -> memref<1x128xi32, #tpu.memory_space<vmem>>
          %dma_wait3A_243 = tpu.memref_squeeze %dma_wait3A_242 : memref<1x128xi32, #tpu.memory_space<vmem>> -> memref<128xi32, #tpu.memory_space<vmem>>
          %dma_wait3A_244 = arith.constant 0 : i32
          %dma_wait3A_245 = arith.constant 0 : i32
          %dma_wait3A_246 = tpu.memref_slice %arg8[%dma_wait3A_244, %dma_wait3A_245] : memref<10240x128xbf16, #tpu.memory_space<vmem_shared>> -> memref<10240x128xbf16, #tpu.memory_space<vmem_shared>>
          tpu.wait_indirect_dma semaphore(%arg19 : memref<!tpu.dma_semaphore, #tpu.memory_space<semaphore_mem>>) src(%arg11 : memref<128x128xbf16, #tpu.memory_space<vmem>>) dst(%dma_wait3A_246 : memref<10240x128xbf16, #tpu.memory_space<vmem_shared>>)
        } else {
        }
        %dma_start3A_234 = arith.constant 0 : i32
        %dma_start3A_235 = tpu.memref_slice %arg6[%add3A_224, %dma_start3A_234] : memref<40x128xi32, #tpu.memory_space<vmem>> -> memref<1x128xi32, #tpu.memory_space<vmem>>
        %dma_start3A_236 = tpu.memref_squeeze %dma_start3A_235 : memref<1x128xi32, #tpu.memory_space<vmem>> -> memref<128xi32, #tpu.memory_space<vmem>>
        %dma_start3A_237 = arith.constant 0 : i32
        %dma_start3A_238 = arith.constant 0 : i32
        %dma_start3A_239 = tpu.memref_slice %arg9[%dma_start3A_237, %dma_start3A_238] : memref<10240x128xbf16, #tpu.memory_space<vmem_shared>> -> memref<10240x128xbf16, #tpu.memory_space<vmem_shared>>
        tpu.enqueue_indirect_dma source(%dma_start3A_239 : memref<10240x128xbf16, #tpu.memory_space<vmem_shared>>) target(%arg11 : memref<128x128xbf16, #tpu.memory_space<vmem>>) offsets(%dma_start3A_236 : memref<128xi32, #tpu.memory_space<vmem>>) semaphore(%arg15 : memref<!tpu.dma_semaphore, #tpu.memory_space<semaphore_mem>>)
      } else {
      }
    }
    %scan3A_41 = arith.constant 10 : i32
    %dma_wait3A = arith.constant 36 : i32
    %dma_wait3A_42 = arith.constant 0 : i32
    %dma_wait3A_43 = tpu.memref_slice %arg7[%dma_wait3A, %dma_wait3A_42] : memref<40x128xi32, #tpu.memory_space<vmem>> -> memref<1x128xi32, #tpu.memory_space<vmem>>
    %dma_wait3A_44 = tpu.memref_squeeze %dma_wait3A_43 : memref<1x128xi32, #tpu.memory_space<vmem>> -> memref<128xi32, #tpu.memory_space<vmem>>
    %dma_wait3A_45 = arith.constant 0 : i32
    %dma_wait3A_46 = arith.constant 0 : i32
    %dma_wait3A_47 = tpu.memref_slice %arg8[%dma_wait3A_45, %dma_wait3A_46] : memref<10240x128xbf16, #tpu.memory_space<vmem_shared>> -> memref<10240x128xbf16, #tpu.memory_space<vmem_shared>>
    tpu.wait_indirect_dma semaphore(%arg18 : memref<!tpu.dma_semaphore, #tpu.memory_space<semaphore_mem>>) src(%arg10 : memref<128x128xbf16, #tpu.memory_space<vmem>>) dst(%dma_wait3A_47 : memref<10240x128xbf16, #tpu.memory_space<vmem_shared>>)
    %dma_wait3A_48 = arith.constant 37 : i32
    %dma_wait3A_49 = arith.constant 0 : i32
    %dma_wait3A_50 = tpu.memref_slice %arg7[%dma_wait3A_48, %dma_wait3A_49] : memref<40x128xi32, #tpu.memory_space<vmem>> -> memref<1x128xi32, #tpu.memory_space<vmem>>
    %dma_wait3A_51 = tpu.memref_squeeze %dma_wait3A_50 : memref<1x128xi32, #tpu.memory_space<vmem>> -> memref<128xi32, #tpu.memory_space<vmem>>
    %dma_wait3A_52 = arith.constant 0 : i32
    %dma_wait3A_53 = arith.constant 0 : i32
    %dma_wait3A_54 = tpu.memref_slice %arg8[%dma_wait3A_52, %dma_wait3A_53] : memref<10240x128xbf16, #tpu.memory_space<vmem_shared>> -> memref<10240x128xbf16, #tpu.memory_space<vmem_shared>>
    tpu.wait_indirect_dma semaphore(%arg19 : memref<!tpu.dma_semaphore, #tpu.memory_space<semaphore_mem>>) src(%arg11 : memref<128x128xbf16, #tpu.memory_space<vmem>>) dst(%dma_wait3A_54 : memref<10240x128xbf16, #tpu.memory_space<vmem_shared>>)
    %dma_wait3A_55 = arith.constant 38 : i32
    %dma_wait3A_56 = arith.constant 0 : i32
    %dma_wait3A_57 = tpu.memref_slice %arg7[%dma_wait3A_55, %dma_wait3A_56] : memref<40x128xi32, #tpu.memory_space<vmem>> -> memref<1x128xi32, #tpu.memory_space<vmem>>
    %dma_wait3A_58 = tpu.memref_squeeze %dma_wait3A_57 : memref<1x128xi32, #tpu.memory_space<vmem>> -> memref<128xi32, #tpu.memory_space<vmem>>
    %dma_wait3A_59 = arith.constant 0 : i32
    %dma_wait3A_60 = arith.constant 0 : i32
    %dma_wait3A_61 = tpu.memref_slice %arg8[%dma_wait3A_59, %dma_wait3A_60] : memref<10240x128xbf16, #tpu.memory_space<vmem_shared>> -> memref<10240x128xbf16, #tpu.memory_space<vmem_shared>>
    tpu.wait_indirect_dma semaphore(%arg20 : memref<!tpu.dma_semaphore, #tpu.memory_space<semaphore_mem>>) src(%arg12 : memref<128x128xbf16, #tpu.memory_space<vmem>>) dst(%dma_wait3A_61 : memref<10240x128xbf16, #tpu.memory_space<vmem_shared>>)
    %dma_wait3A_62 = arith.constant 39 : i32
    %dma_wait3A_63 = arith.constant 0 : i32
    %dma_wait3A_64 = tpu.memref_slice %arg7[%dma_wait3A_62, %dma_wait3A_63] : memref<40x128xi32, #tpu.memory_space<vmem>> -> memref<1x128xi32, #tpu.memory_space<vmem>>
    %dma_wait3A_65 = tpu.memref_squeeze %dma_wait3A_64 : memref<1x128xi32, #tpu.memory_space<vmem>> -> memref<128xi32, #tpu.memory_space<vmem>>
    %dma_wait3A_66 = arith.constant 0 : i32
    %dma_wait3A_67 = arith.constant 0 : i32
    %dma_wait3A_68 = tpu.memref_slice %arg8[%dma_wait3A_66, %dma_wait3A_67] : memref<10240x128xbf16, #tpu.memory_space<vmem_shared>> -> memref<10240x128xbf16, #tpu.memory_space<vmem_shared>>
    tpu.wait_indirect_dma semaphore(%arg21 : memref<!tpu.dma_semaphore, #tpu.memory_space<semaphore_mem>>) src(%arg13 : memref<128x128xbf16, #tpu.memory_space<vmem>>) dst(%dma_wait3A_68 : memref<10240x128xbf16, #tpu.memory_space<vmem_shared>>)
    %add3A_69 = arith.constant 40 : i32
    %add3A_70 = arith.addi %mul3A_5, %add3A_69 : i32
    "tpu.region"() ({
      %run_scoped3A = tpu.sem_alloc : memref<!tpu.dma_semaphore, #tpu.memory_space<semaphore_mem>>
      %dma_start3A_140 = arith.constant 0 : i32
      %dma_start3A_141 = tpu.memref_slice %arg3[%add3A_70, %dma_start3A_140] : memref<2560x128xi32, #tpu.memory_space<hbm>> -> memref<40x128xi32, #tpu.memory_space<hbm>>
      %dma_start3A_142 = arith.constant 0 : i32
      %dma_start3A_143 = tpu.memref_slice %arg3[%add3A_70, %dma_start3A_142] : memref<2560x128xi32, #tpu.memory_space<hbm>> -> memref<40x128xi32, #tpu.memory_space<hbm>>
      tpu.enqueue_dma source(%dma_start3A_143 : memref<40x128xi32, #tpu.memory_space<hbm>>) target(%arg6 : memref<40x128xi32, #tpu.memory_space<vmem>>) target_semaphore(%run_scoped3A : memref<!tpu.dma_semaphore, #tpu.memory_space<semaphore_mem>>)
      %dma_wait3A_144 = arith.constant 0 : i32
      %dma_wait3A_145 = tpu.memref_slice %arg3[%add3A_70, %dma_wait3A_144] : memref<2560x128xi32, #tpu.memory_space<hbm>> -> memref<40x128xi32, #tpu.memory_space<hbm>>
      %dma_wait3A_146 = arith.constant 0 : i32
      %dma_wait3A_147 = tpu.memref_slice %arg3[%add3A_70, %dma_wait3A_146] : memref<2560x128xi32, #tpu.memory_space<hbm>> -> memref<40x128xi32, #tpu.memory_space<hbm>>
      tpu.wait_dma2 semaphore(%run_scoped3A : memref<!tpu.dma_semaphore, #tpu.memory_space<semaphore_mem>>) src(%dma_wait3A_147 : memref<40x128xi32, #tpu.memory_space<hbm>>) dst(%arg6 : memref<40x128xi32, #tpu.memory_space<vmem>>)
      tpu.yield
    }) : () -> ()
    "tpu.region"() ({
      %run_scoped3A = tpu.sem_alloc : memref<!tpu.dma_semaphore, #tpu.memory_space<semaphore_mem>>
      %dma_start3A_140 = arith.constant 0 : i32
      %dma_start3A_141 = tpu.memref_slice %arg4[%add3A_70, %dma_start3A_140] : memref<2560x128xi32, #tpu.memory_space<hbm>> -> memref<40x128xi32, #tpu.memory_space<hbm>>
      %dma_start3A_142 = arith.constant 0 : i32
      %dma_start3A_143 = tpu.memref_slice %arg4[%add3A_70, %dma_start3A_142] : memref<2560x128xi32, #tpu.memory_space<hbm>> -> memref<40x128xi32, #tpu.memory_space<hbm>>
      tpu.enqueue_dma source(%dma_start3A_143 : memref<40x128xi32, #tpu.memory_space<hbm>>) target(%arg7 : memref<40x128xi32, #tpu.memory_space<vmem>>) target_semaphore(%run_scoped3A : memref<!tpu.dma_semaphore, #tpu.memory_space<semaphore_mem>>)
      %dma_wait3A_144 = arith.constant 0 : i32
      %dma_wait3A_145 = tpu.memref_slice %arg4[%add3A_70, %dma_wait3A_144] : memref<2560x128xi32, #tpu.memory_space<hbm>> -> memref<40x128xi32, #tpu.memory_space<hbm>>
      %dma_wait3A_146 = arith.constant 0 : i32
      %dma_wait3A_147 = tpu.memref_slice %arg4[%add3A_70, %dma_wait3A_146] : memref<2560x128xi32, #tpu.memory_space<hbm>> -> memref<40x128xi32, #tpu.memory_space<hbm>>
      tpu.wait_dma2 semaphore(%run_scoped3A : memref<!tpu.dma_semaphore, #tpu.memory_space<semaphore_mem>>) src(%dma_wait3A_147 : memref<40x128xi32, #tpu.memory_space<hbm>>) dst(%arg7 : memref<40x128xi32, #tpu.memory_space<vmem>>)
      tpu.yield
    }) : () -> ()
    %dma_start3A_71 = arith.constant 0 : i32
    %dma_start3A_72 = arith.constant 0 : i32
    %dma_start3A_73 = tpu.memref_slice %arg6[%dma_start3A_71, %dma_start3A_72] : memref<40x128xi32, #tpu.memory_space<vmem>> -> memref<1x128xi32, #tpu.memory_space<vmem>>
    %dma_start3A_74 = tpu.memref_squeeze %dma_start3A_73 : memref<1x128xi32, #tpu.memory_space<vmem>> -> memref<128xi32, #tpu.memory_space<vmem>>
    %dma_start3A_75 = arith.constant 0 : i32
    %dma_start3A_76 = arith.constant 0 : i32
    %dma_start3A_77 = tpu.memref_slice %arg9[%dma_start3A_75, %dma_start3A_76] : memref<10240x128xbf16, #tpu.memory_space<vmem_shared>> -> memref<10240x128xbf16, #tpu.memory_space<vmem_shared>>
    tpu.enqueue_indirect_dma source(%dma_start3A_77 : memref<10240x128xbf16, #tpu.memory_space<vmem_shared>>) target(%arg10 : memref<128x128xbf16, #tpu.memory_space<vmem>>) offsets(%dma_start3A_74 : memref<128xi32, #tpu.memory_space<vmem>>) semaphore(%arg14 : memref<!tpu.dma_semaphore, #tpu.memory_space<semaphore_mem>>)
    %dma_start3A_78 = arith.constant 1 : i32
    %dma_start3A_79 = arith.constant 0 : i32
    %dma_start3A_80 = tpu.memref_slice %arg6[%dma_start3A_78, %dma_start3A_79] : memref<40x128xi32, #tpu.memory_space<vmem>> -> memref<1x128xi32, #tpu.memory_space<vmem>>
    %dma_start3A_81 = tpu.memref_squeeze %dma_start3A_80 : memref<1x128xi32, #tpu.memory_space<vmem>> -> memref<128xi32, #tpu.memory_space<vmem>>
    %dma_start3A_82 = arith.constant 0 : i32
    %dma_start3A_83 = arith.constant 0 : i32
    %dma_start3A_84 = tpu.memref_slice %arg9[%dma_start3A_82, %dma_start3A_83] : memref<10240x128xbf16, #tpu.memory_space<vmem_shared>> -> memref<10240x128xbf16, #tpu.memory_space<vmem_shared>>
    tpu.enqueue_indirect_dma source(%dma_start3A_84 : memref<10240x128xbf16, #tpu.memory_space<vmem_shared>>) target(%arg11 : memref<128x128xbf16, #tpu.memory_space<vmem>>) offsets(%dma_start3A_81 : memref<128xi32, #tpu.memory_space<vmem>>) semaphore(%arg15 : memref<!tpu.dma_semaphore, #tpu.memory_space<semaphore_mem>>)
    %scan3A_85 = arith.constant 0 : i32
    %scan3A_86 = arith.constant 0 : i32
    %scan3A_87 = arith.constant 10 : i32
    %scan3A_88 = arith.addi %scan3A_86, %scan3A_87 : i32
    %scan3A_89 = arith.constant 1 : i32
    scf.for %scan3A_140 = %scan3A_86 to %scan3A_88 step %scan3A_89  : i32 {
      %mul3A_141 = arith.constant 4 : i32
      %mul3A_142 = arith.muli %scan3A_140, %mul3A_141 : i32
      %add3A_143 = arith.constant 0 : i32
      %add3A_144 = arith.addi %mul3A_142, %add3A_143 : i32
      %dma_wait3A_145 = arith.constant 0 : i32
      %dma_wait3A_146 = tpu.memref_slice %arg6[%add3A_144, %dma_wait3A_145] : memref<40x128xi32, #tpu.memory_space<vmem>> -> memref<1x128xi32, #tpu.memory_space<vmem>>
      %dma_wait3A_147 = tpu.memref_squeeze %dma_wait3A_146 : memref<1x128xi32, #tpu.memory_space<vmem>> -> memref<128xi32, #tpu.memory_space<vmem>>
      %dma_wait3A_148 = arith.constant 0 : i32
      %dma_wait3A_149 = arith.constant 0 : i32
      %dma_wait3A_150 = tpu.memref_slice %arg9[%dma_wait3A_148, %dma_wait3A_149] : memref<10240x128xbf16, #tpu.memory_space<vmem_shared>> -> memref<10240x128xbf16, #tpu.memory_space<vmem_shared>>
      tpu.wait_indirect_dma semaphore(%arg14 : memref<!tpu.dma_semaphore, #tpu.memory_space<semaphore_mem>>) src(%dma_wait3A_150 : memref<10240x128xbf16, #tpu.memory_space<vmem_shared>>) dst(%arg10 : memref<128x128xbf16, #tpu.memory_space<vmem>>)
      %dma_start3A_151 = arith.constant 0 : i32
      %dma_start3A_152 = tpu.memref_slice %arg7[%add3A_144, %dma_start3A_151] : memref<40x128xi32, #tpu.memory_space<vmem>> -> memref<1x128xi32, #tpu.memory_space<vmem>>
      %dma_start3A_153 = tpu.memref_squeeze %dma_start3A_152 : memref<1x128xi32, #tpu.memory_space<vmem>> -> memref<128xi32, #tpu.memory_space<vmem>>
      %dma_start3A_154 = arith.constant 0 : i32
      %dma_start3A_155 = arith.constant 0 : i32
      %dma_start3A_156 = tpu.memref_slice %arg8[%dma_start3A_154, %dma_start3A_155] : memref<10240x128xbf16, #tpu.memory_space<vmem_shared>> -> memref<10240x128xbf16, #tpu.memory_space<vmem_shared>>
      tpu.enqueue_indirect_dma source(%arg10 : memref<128x128xbf16, #tpu.memory_space<vmem>>) target(%dma_start3A_156 : memref<10240x128xbf16, #tpu.memory_space<vmem_shared>>) offsets(%dma_start3A_153 : memref<128xi32, #tpu.memory_space<vmem>>) semaphore(%arg18 : memref<!tpu.dma_semaphore, #tpu.memory_space<semaphore_mem>>) {add = true}
      %add3A_157 = arith.constant 2 : i32
      %add3A_158 = arith.addi %add3A_144, %add3A_157 : i32
      %lt3A = arith.constant 40 : i32
      %lt3A_159 = arith.cmpi slt, %add3A_158, %lt3A : i32
      %convert_element_type3A = arith.extui %lt3A_159 : i1 to i32
      %cond3A = arith.constant 0 : i32
      %cond3A_160 = arith.cmpi ne, %convert_element_type3A, %cond3A : i32
      scf.if %cond3A_160 {
        %ge3A = arith.constant 2 : i32
        %ge3A_230 = arith.cmpi sge, %add3A_144, %ge3A : i32
        %convert_element_type3A_231 = arith.extui %ge3A_230 : i1 to i32
        %cond3A_232 = arith.constant 0 : i32
        %cond3A_233 = arith.cmpi ne, %convert_element_type3A_231, %cond3A_232 : i32
        scf.if %cond3A_233 {
          %sub3A = arith.constant 2 : i32
          %sub3A_240 = arith.subi %add3A_144, %sub3A : i32
          %dma_wait3A_241 = arith.constant 0 : i32
          %dma_wait3A_242 = tpu.memref_slice %arg7[%sub3A_240, %dma_wait3A_241] : memref<40x128xi32, #tpu.memory_space<vmem>> -> memref<1x128xi32, #tpu.memory_space<vmem>>
          %dma_wait3A_243 = tpu.memref_squeeze %dma_wait3A_242 : memref<1x128xi32, #tpu.memory_space<vmem>> -> memref<128xi32, #tpu.memory_space<vmem>>
          %dma_wait3A_244 = arith.constant 0 : i32
          %dma_wait3A_245 = arith.constant 0 : i32
          %dma_wait3A_246 = tpu.memref_slice %arg8[%dma_wait3A_244, %dma_wait3A_245] : memref<10240x128xbf16, #tpu.memory_space<vmem_shared>> -> memref<10240x128xbf16, #tpu.memory_space<vmem_shared>>
          tpu.wait_indirect_dma semaphore(%arg20 : memref<!tpu.dma_semaphore, #tpu.memory_space<semaphore_mem>>) src(%arg12 : memref<128x128xbf16, #tpu.memory_space<vmem>>) dst(%dma_wait3A_246 : memref<10240x128xbf16, #tpu.memory_space<vmem_shared>>)
        } else {
        }
        %dma_start3A_234 = arith.constant 0 : i32
        %dma_start3A_235 = tpu.memref_slice %arg6[%add3A_158, %dma_start3A_234] : memref<40x128xi32, #tpu.memory_space<vmem>> -> memref<1x128xi32, #tpu.memory_space<vmem>>
        %dma_start3A_236 = tpu.memref_squeeze %dma_start3A_235 : memref<1x128xi32, #tpu.memory_space<vmem>> -> memref<128xi32, #tpu.memory_space<vmem>>
        %dma_start3A_237 = arith.constant 0 : i32
        %dma_start3A_238 = arith.constant 0 : i32
        %dma_start3A_239 = tpu.memref_slice %arg9[%dma_start3A_237, %dma_start3A_238] : memref<10240x128xbf16, #tpu.memory_space<vmem_shared>> -> memref<10240x128xbf16, #tpu.memory_space<vmem_shared>>
        tpu.enqueue_indirect_dma source(%dma_start3A_239 : memref<10240x128xbf16, #tpu.memory_space<vmem_shared>>) target(%arg12 : memref<128x128xbf16, #tpu.memory_space<vmem>>) offsets(%dma_start3A_236 : memref<128xi32, #tpu.memory_space<vmem>>) semaphore(%arg16 : memref<!tpu.dma_semaphore, #tpu.memory_space<semaphore_mem>>)
      } else {
      }
      %mul3A_161 = arith.constant 4 : i32
      %mul3A_162 = arith.muli %scan3A_140, %mul3A_161 : i32
      %add3A_163 = arith.constant 1 : i32
      %add3A_164 = arith.addi %mul3A_162, %add3A_163 : i32
      %dma_wait3A_165 = arith.constant 0 : i32
      %dma_wait3A_166 = tpu.memref_slice %arg6[%add3A_164, %dma_wait3A_165] : memref<40x128xi32, #tpu.memory_space<vmem>> -> memref<1x128xi32, #tpu.memory_space<vmem>>
      %dma_wait3A_167 = tpu.memref_squeeze %dma_wait3A_166 : memref<1x128xi32, #tpu.memory_space<vmem>> -> memref<128xi32, #tpu.memory_space<vmem>>
      %dma_wait3A_168 = arith.constant 0 : i32
      %dma_wait3A_169 = arith.constant 0 : i32
      %dma_wait3A_170 = tpu.memref_slice %arg9[%dma_wait3A_168, %dma_wait3A_169] : memref<10240x128xbf16, #tpu.memory_space<vmem_shared>> -> memref<10240x128xbf16, #tpu.memory_space<vmem_shared>>
      tpu.wait_indirect_dma semaphore(%arg15 : memref<!tpu.dma_semaphore, #tpu.memory_space<semaphore_mem>>) src(%dma_wait3A_170 : memref<10240x128xbf16, #tpu.memory_space<vmem_shared>>) dst(%arg11 : memref<128x128xbf16, #tpu.memory_space<vmem>>)
      %dma_start3A_171 = arith.constant 0 : i32
      %dma_start3A_172 = tpu.memref_slice %arg7[%add3A_164, %dma_start3A_171] : memref<40x128xi32, #tpu.memory_space<vmem>> -> memref<1x128xi32, #tpu.memory_space<vmem>>
      %dma_start3A_173 = tpu.memref_squeeze %dma_start3A_172 : memref<1x128xi32, #tpu.memory_space<vmem>> -> memref<128xi32, #tpu.memory_space<vmem>>
      %dma_start3A_174 = arith.constant 0 : i32
      %dma_start3A_175 = arith.constant 0 : i32
      %dma_start3A_176 = tpu.memref_slice %arg8[%dma_start3A_174, %dma_start3A_175] : memref<10240x128xbf16, #tpu.memory_space<vmem_shared>> -> memref<10240x128xbf16, #tpu.memory_space<vmem_shared>>
      tpu.enqueue_indirect_dma source(%arg11 : memref<128x128xbf16, #tpu.memory_space<vmem>>) target(%dma_start3A_176 : memref<10240x128xbf16, #tpu.memory_space<vmem_shared>>) offsets(%dma_start3A_173 : memref<128xi32, #tpu.memory_space<vmem>>) semaphore(%arg19 : memref<!tpu.dma_semaphore, #tpu.memory_space<semaphore_mem>>) {add = true}
      %add3A_177 = arith.constant 2 : i32
      %add3A_178 = arith.addi %add3A_164, %add3A_177 : i32
      %lt3A_179 = arith.constant 40 : i32
      %lt3A_180 = arith.cmpi slt, %add3A_178, %lt3A_179 : i32
      %convert_element_type3A_181 = arith.extui %lt3A_180 : i1 to i32
      %cond3A_182 = arith.constant 0 : i32
      %cond3A_183 = arith.cmpi ne, %convert_element_type3A_181, %cond3A_182 : i32
      scf.if %cond3A_183 {
        %ge3A = arith.constant 2 : i32
        %ge3A_230 = arith.cmpi sge, %add3A_164, %ge3A : i32
        %convert_element_type3A_231 = arith.extui %ge3A_230 : i1 to i32
        %cond3A_232 = arith.constant 0 : i32
        %cond3A_233 = arith.cmpi ne, %convert_element_type3A_231, %cond3A_232 : i32
        scf.if %cond3A_233 {
          %sub3A = arith.constant 2 : i32
          %sub3A_240 = arith.subi %add3A_164, %sub3A : i32
          %dma_wait3A_241 = arith.constant 0 : i32
          %dma_wait3A_242 = tpu.memref_slice %arg7[%sub3A_240, %dma_wait3A_241] : memref<40x128xi32, #tpu.memory_space<vmem>> -> memref<1x128xi32, #tpu.memory_space<vmem>>
          %dma_wait3A_243 = tpu.memref_squeeze %dma_wait3A_242 : memref<1x128xi32, #tpu.memory_space<vmem>> -> memref<128xi32, #tpu.memory_space<vmem>>
          %dma_wait3A_244 = arith.constant 0 : i32
          %dma_wait3A_245 = arith.constant 0 : i32
          %dma_wait3A_246 = tpu.memref_slice %arg8[%dma_wait3A_244, %dma_wait3A_245] : memref<10240x128xbf16, #tpu.memory_space<vmem_shared>> -> memref<10240x128xbf16, #tpu.memory_space<vmem_shared>>
          tpu.wait_indirect_dma semaphore(%arg21 : memref<!tpu.dma_semaphore, #tpu.memory_space<semaphore_mem>>) src(%arg13 : memref<128x128xbf16, #tpu.memory_space<vmem>>) dst(%dma_wait3A_246 : memref<10240x128xbf16, #tpu.memory_space<vmem_shared>>)
        } else {
        }
        %dma_start3A_234 = arith.constant 0 : i32
        %dma_start3A_235 = tpu.memref_slice %arg6[%add3A_178, %dma_start3A_234] : memref<40x128xi32, #tpu.memory_space<vmem>> -> memref<1x128xi32, #tpu.memory_space<vmem>>
        %dma_start3A_236 = tpu.memref_squeeze %dma_start3A_235 : memref<1x128xi32, #tpu.memory_space<vmem>> -> memref<128xi32, #tpu.memory_space<vmem>>
        %dma_start3A_237 = arith.constant 0 : i32
        %dma_start3A_238 = arith.constant 0 : i32
        %dma_start3A_239 = tpu.memref_slice %arg9[%dma_start3A_237, %dma_start3A_238] : memref<10240x128xbf16, #tpu.memory_space<vmem_shared>> -> memref<10240x128xbf16, #tpu.memory_space<vmem_shared>>
        tpu.enqueue_indirect_dma source(%dma_start3A_239 : memref<10240x128xbf16, #tpu.memory_space<vmem_shared>>) target(%arg13 : memref<128x128xbf16, #tpu.memory_space<vmem>>) offsets(%dma_start3A_236 : memref<128xi32, #tpu.memory_space<vmem>>) semaphore(%arg17 : memref<!tpu.dma_semaphore, #tpu.memory_space<semaphore_mem>>)
      } else {
      }
      %mul3A_184 = arith.constant 4 : i32
      %mul3A_185 = arith.muli %scan3A_140, %mul3A_184 : i32
      %add3A_186 = arith.constant 2 : i32
      %add3A_187 = arith.addi %mul3A_185, %add3A_186 : i32
      %dma_wait3A_188 = arith.constant 0 : i32
      %dma_wait3A_189 = tpu.memref_slice %arg6[%add3A_187, %dma_wait3A_188] : memref<40x128xi32, #tpu.memory_space<vmem>> -> memref<1x128xi32, #tpu.memory_space<vmem>>
      %dma_wait3A_190 = tpu.memref_squeeze %dma_wait3A_189 : memref<1x128xi32, #tpu.memory_space<vmem>> -> memref<128xi32, #tpu.memory_space<vmem>>
      %dma_wait3A_191 = arith.constant 0 : i32
      %dma_wait3A_192 = arith.constant 0 : i32
      %dma_wait3A_193 = tpu.memref_slice %arg9[%dma_wait3A_191, %dma_wait3A_192] : memref<10240x128xbf16, #tpu.memory_space<vmem_shared>> -> memref<10240x128xbf16, #tpu.memory_space<vmem_shared>>
      tpu.wait_indirect_dma semaphore(%arg16 : memref<!tpu.dma_semaphore, #tpu.memory_space<semaphore_mem>>) src(%dma_wait3A_193 : memref<10240x128xbf16, #tpu.memory_space<vmem_shared>>) dst(%arg12 : memref<128x128xbf16, #tpu.memory_space<vmem>>)
      %dma_start3A_194 = arith.constant 0 : i32
      %dma_start3A_195 = tpu.memref_slice %arg7[%add3A_187, %dma_start3A_194] : memref<40x128xi32, #tpu.memory_space<vmem>> -> memref<1x128xi32, #tpu.memory_space<vmem>>
      %dma_start3A_196 = tpu.memref_squeeze %dma_start3A_195 : memref<1x128xi32, #tpu.memory_space<vmem>> -> memref<128xi32, #tpu.memory_space<vmem>>
      %dma_start3A_197 = arith.constant 0 : i32
      %dma_start3A_198 = arith.constant 0 : i32
      %dma_start3A_199 = tpu.memref_slice %arg8[%dma_start3A_197, %dma_start3A_198] : memref<10240x128xbf16, #tpu.memory_space<vmem_shared>> -> memref<10240x128xbf16, #tpu.memory_space<vmem_shared>>
      tpu.enqueue_indirect_dma source(%arg12 : memref<128x128xbf16, #tpu.memory_space<vmem>>) target(%dma_start3A_199 : memref<10240x128xbf16, #tpu.memory_space<vmem_shared>>) offsets(%dma_start3A_196 : memref<128xi32, #tpu.memory_space<vmem>>) semaphore(%arg20 : memref<!tpu.dma_semaphore, #tpu.memory_space<semaphore_mem>>) {add = true}
      %add3A_200 = arith.constant 2 : i32
      %add3A_201 = arith.addi %add3A_187, %add3A_200 : i32
      %lt3A_202 = arith.constant 40 : i32
      %lt3A_203 = arith.cmpi slt, %add3A_201, %lt3A_202 : i32
      %convert_element_type3A_204 = arith.extui %lt3A_203 : i1 to i32
      %cond3A_205 = arith.constant 0 : i32
      %cond3A_206 = arith.cmpi ne, %convert_element_type3A_204, %cond3A_205 : i32
      scf.if %cond3A_206 {
        %ge3A = arith.constant 2 : i32
        %ge3A_230 = arith.cmpi sge, %add3A_187, %ge3A : i32
        %convert_element_type3A_231 = arith.extui %ge3A_230 : i1 to i32
        %cond3A_232 = arith.constant 0 : i32
        %cond3A_233 = arith.cmpi ne, %convert_element_type3A_231, %cond3A_232 : i32
        scf.if %cond3A_233 {
          %sub3A = arith.constant 2 : i32
          %sub3A_240 = arith.subi %add3A_187, %sub3A : i32
          %dma_wait3A_241 = arith.constant 0 : i32
          %dma_wait3A_242 = tpu.memref_slice %arg7[%sub3A_240, %dma_wait3A_241] : memref<40x128xi32, #tpu.memory_space<vmem>> -> memref<1x128xi32, #tpu.memory_space<vmem>>
          %dma_wait3A_243 = tpu.memref_squeeze %dma_wait3A_242 : memref<1x128xi32, #tpu.memory_space<vmem>> -> memref<128xi32, #tpu.memory_space<vmem>>
          %dma_wait3A_244 = arith.constant 0 : i32
          %dma_wait3A_245 = arith.constant 0 : i32
          %dma_wait3A_246 = tpu.memref_slice %arg8[%dma_wait3A_244, %dma_wait3A_245] : memref<10240x128xbf16, #tpu.memory_space<vmem_shared>> -> memref<10240x128xbf16, #tpu.memory_space<vmem_shared>>
          tpu.wait_indirect_dma semaphore(%arg18 : memref<!tpu.dma_semaphore, #tpu.memory_space<semaphore_mem>>) src(%arg10 : memref<128x128xbf16, #tpu.memory_space<vmem>>) dst(%dma_wait3A_246 : memref<10240x128xbf16, #tpu.memory_space<vmem_shared>>)
        } else {
        }
        %dma_start3A_234 = arith.constant 0 : i32
        %dma_start3A_235 = tpu.memref_slice %arg6[%add3A_201, %dma_start3A_234] : memref<40x128xi32, #tpu.memory_space<vmem>> -> memref<1x128xi32, #tpu.memory_space<vmem>>
        %dma_start3A_236 = tpu.memref_squeeze %dma_start3A_235 : memref<1x128xi32, #tpu.memory_space<vmem>> -> memref<128xi32, #tpu.memory_space<vmem>>
        %dma_start3A_237 = arith.constant 0 : i32
        %dma_start3A_238 = arith.constant 0 : i32
        %dma_start3A_239 = tpu.memref_slice %arg9[%dma_start3A_237, %dma_start3A_238] : memref<10240x128xbf16, #tpu.memory_space<vmem_shared>> -> memref<10240x128xbf16, #tpu.memory_space<vmem_shared>>
        tpu.enqueue_indirect_dma source(%dma_start3A_239 : memref<10240x128xbf16, #tpu.memory_space<vmem_shared>>) target(%arg10 : memref<128x128xbf16, #tpu.memory_space<vmem>>) offsets(%dma_start3A_236 : memref<128xi32, #tpu.memory_space<vmem>>) semaphore(%arg14 : memref<!tpu.dma_semaphore, #tpu.memory_space<semaphore_mem>>)
      } else {
      }
      %mul3A_207 = arith.constant 4 : i32
      %mul3A_208 = arith.muli %scan3A_140, %mul3A_207 : i32
      %add3A_209 = arith.constant 3 : i32
      %add3A_210 = arith.addi %mul3A_208, %add3A_209 : i32
      %dma_wait3A_211 = arith.constant 0 : i32
      %dma_wait3A_212 = tpu.memref_slice %arg6[%add3A_210, %dma_wait3A_211] : memref<40x128xi32, #tpu.memory_space<vmem>> -> memref<1x128xi32, #tpu.memory_space<vmem>>
      %dma_wait3A_213 = tpu.memref_squeeze %dma_wait3A_212 : memref<1x128xi32, #tpu.memory_space<vmem>> -> memref<128xi32, #tpu.memory_space<vmem>>
      %dma_wait3A_214 = arith.constant 0 : i32
      %dma_wait3A_215 = arith.constant 0 : i32
      %dma_wait3A_216 = tpu.memref_slice %arg9[%dma_wait3A_214, %dma_wait3A_215] : memref<10240x128xbf16, #tpu.memory_space<vmem_shared>> -> memref<10240x128xbf16, #tpu.memory_space<vmem_shared>>
      tpu.wait_indirect_dma semaphore(%arg17 : memref<!tpu.dma_semaphore, #tpu.memory_space<semaphore_mem>>) src(%dma_wait3A_216 : memref<10240x128xbf16, #tpu.memory_space<vmem_shared>>) dst(%arg13 : memref<128x128xbf16, #tpu.memory_space<vmem>>)
      %dma_start3A_217 = arith.constant 0 : i32
      %dma_start3A_218 = tpu.memref_slice %arg7[%add3A_210, %dma_start3A_217] : memref<40x128xi32, #tpu.memory_space<vmem>> -> memref<1x128xi32, #tpu.memory_space<vmem>>
      %dma_start3A_219 = tpu.memref_squeeze %dma_start3A_218 : memref<1x128xi32, #tpu.memory_space<vmem>> -> memref<128xi32, #tpu.memory_space<vmem>>
      %dma_start3A_220 = arith.constant 0 : i32
      %dma_start3A_221 = arith.constant 0 : i32
      %dma_start3A_222 = tpu.memref_slice %arg8[%dma_start3A_220, %dma_start3A_221] : memref<10240x128xbf16, #tpu.memory_space<vmem_shared>> -> memref<10240x128xbf16, #tpu.memory_space<vmem_shared>>
      tpu.enqueue_indirect_dma source(%arg13 : memref<128x128xbf16, #tpu.memory_space<vmem>>) target(%dma_start3A_222 : memref<10240x128xbf16, #tpu.memory_space<vmem_shared>>) offsets(%dma_start3A_219 : memref<128xi32, #tpu.memory_space<vmem>>) semaphore(%arg21 : memref<!tpu.dma_semaphore, #tpu.memory_space<semaphore_mem>>) {add = true}
      %add3A_223 = arith.constant 2 : i32
      %add3A_224 = arith.addi %add3A_210, %add3A_223 : i32
      %lt3A_225 = arith.constant 40 : i32
      %lt3A_226 = arith.cmpi slt, %add3A_224, %lt3A_225 : i32
      %convert_element_type3A_227 = arith.extui %lt3A_226 : i1 to i32
      %cond3A_228 = arith.constant 0 : i32
      %cond3A_229 = arith.cmpi ne, %convert_element_type3A_227, %cond3A_228 : i32
      scf.if %cond3A_229 {
        %ge3A = arith.constant 2 : i32
        %ge3A_230 = arith.cmpi sge, %add3A_210, %ge3A : i32
        %convert_element_type3A_231 = arith.extui %ge3A_230 : i1 to i32
        %cond3A_232 = arith.constant 0 : i32
        %cond3A_233 = arith.cmpi ne, %convert_element_type3A_231, %cond3A_232 : i32
        scf.if %cond3A_233 {
          %sub3A = arith.constant 2 : i32
          %sub3A_240 = arith.subi %add3A_210, %sub3A : i32
          %dma_wait3A_241 = arith.constant 0 : i32
          %dma_wait3A_242 = tpu.memref_slice %arg7[%sub3A_240, %dma_wait3A_241] : memref<40x128xi32, #tpu.memory_space<vmem>> -> memref<1x128xi32, #tpu.memory_space<vmem>>
          %dma_wait3A_243 = tpu.memref_squeeze %dma_wait3A_242 : memref<1x128xi32, #tpu.memory_space<vmem>> -> memref<128xi32, #tpu.memory_space<vmem>>
          %dma_wait3A_244 = arith.constant 0 : i32
          %dma_wait3A_245 = arith.constant 0 : i32
          %dma_wait3A_246 = tpu.memref_slice %arg8[%dma_wait3A_244, %dma_wait3A_245] : memref<10240x128xbf16, #tpu.memory_space<vmem_shared>> -> memref<10240x128xbf16, #tpu.memory_space<vmem_shared>>
          tpu.wait_indirect_dma semaphore(%arg19 : memref<!tpu.dma_semaphore, #tpu.memory_space<semaphore_mem>>) src(%arg11 : memref<128x128xbf16, #tpu.memory_space<vmem>>) dst(%dma_wait3A_246 : memref<10240x128xbf16, #tpu.memory_space<vmem_shared>>)
        } else {
        }
        %dma_start3A_234 = arith.constant 0 : i32
        %dma_start3A_235 = tpu.memref_slice %arg6[%add3A_224, %dma_start3A_234] : memref<40x128xi32, #tpu.memory_space<vmem>> -> memref<1x128xi32, #tpu.memory_space<vmem>>
        %dma_start3A_236 = tpu.memref_squeeze %dma_start3A_235 : memref<1x128xi32, #tpu.memory_space<vmem>> -> memref<128xi32, #tpu.memory_space<vmem>>
        %dma_start3A_237 = arith.constant 0 : i32
        %dma_start3A_238 = arith.constant 0 : i32
        %dma_start3A_239 = tpu.memref_slice %arg9[%dma_start3A_237, %dma_start3A_238] : memref<10240x128xbf16, #tpu.memory_space<vmem_shared>> -> memref<10240x128xbf16, #tpu.memory_space<vmem_shared>>
        tpu.enqueue_indirect_dma source(%dma_start3A_239 : memref<10240x128xbf16, #tpu.memory_space<vmem_shared>>) target(%arg11 : memref<128x128xbf16, #tpu.memory_space<vmem>>) offsets(%dma_start3A_236 : memref<128xi32, #tpu.memory_space<vmem>>) semaphore(%arg15 : memref<!tpu.dma_semaphore, #tpu.memory_space<semaphore_mem>>)
      } else {
      }
    }
    %scan3A_90 = arith.constant 10 : i32
    %dma_wait3A_91 = arith.constant 36 : i32
    %dma_wait3A_92 = arith.constant 0 : i32
    %dma_wait3A_93 = tpu.memref_slice %arg7[%dma_wait3A_91, %dma_wait3A_92] : memref<40x128xi32, #tpu.memory_space<vmem>> -> memref<1x128xi32, #tpu.memory_space<vmem>>
    %dma_wait3A_94 = tpu.memref_squeeze %dma_wait3A_93 : memref<1x128xi32, #tpu.memory_space<vmem>> -> memref<128xi32, #tpu.memory_space<vmem>>
    %dma_wait3A_95 = arith.constant 0 : i32
    %dma_wait3A_96 = arith.constant 0 : i32
    %dma_wait3A_97 = tpu.memref_slice %arg8[%dma_wait3A_95, %dma_wait3A_96] : memref<10240x128xbf16, #tpu.memory_space<vmem_shared>> -> memref<10240x128xbf16, #tpu.memory_space<vmem_shared>>
    tpu.wait_indirect_dma semaphore(%arg18 : memref<!tpu.dma_semaphore, #tpu.memory_space<semaphore_mem>>) src(%arg10 : memref<128x128xbf16, #tpu.memory_space<vmem>>) dst(%dma_wait3A_97 : memref<10240x128xbf16, #tpu.memory_space<vmem_shared>>)
    %dma_wait3A_98 = arith.constant 37 : i32
    %dma_wait3A_99 = arith.constant 0 : i32
    %dma_wait3A_100 = tpu.memref_slice %arg7[%dma_wait3A_98, %dma_wait3A_99] : memref<40x128xi32, #tpu.memory_space<vmem>> -> memref<1x128xi32, #tpu.memory_space<vmem>>
    %dma_wait3A_101 = tpu.memref_squeeze %dma_wait3A_100 : memref<1x128xi32, #tpu.memory_space<vmem>> -> memref<128xi32, #tpu.memory_space<vmem>>
    %dma_wait3A_102 = arith.constant 0 : i32
    %dma_wait3A_103 = arith.constant 0 : i32
    %dma_wait3A_104 = tpu.memref_slice %arg8[%dma_wait3A_102, %dma_wait3A_103] : memref<10240x128xbf16, #tpu.memory_space<vmem_shared>> -> memref<10240x128xbf16, #tpu.memory_space<vmem_shared>>
    tpu.wait_indirect_dma semaphore(%arg19 : memref<!tpu.dma_semaphore, #tpu.memory_space<semaphore_mem>>) src(%arg11 : memref<128x128xbf16, #tpu.memory_space<vmem>>) dst(%dma_wait3A_104 : memref<10240x128xbf16, #tpu.memory_space<vmem_shared>>)
    %dma_wait3A_105 = arith.constant 38 : i32
    %dma_wait3A_106 = arith.constant 0 : i32
    %dma_wait3A_107 = tpu.memref_slice %arg7[%dma_wait3A_105, %dma_wait3A_106] : memref<40x128xi32, #tpu.memory_space<vmem>> -> memref<1x128xi32, #tpu.memory_space<vmem>>
    %dma_wait3A_108 = tpu.memref_squeeze %dma_wait3A_107 : memref<1x128xi32, #tpu.memory_space<vmem>> -> memref<128xi32, #tpu.memory_space<vmem>>
    %dma_wait3A_109 = arith.constant 0 : i32
    %dma_wait3A_110 = arith.constant 0 : i32
    %dma_wait3A_111 = tpu.memref_slice %arg8[%dma_wait3A_109, %dma_wait3A_110] : memref<10240x128xbf16, #tpu.memory_space<vmem_shared>> -> memref<10240x128xbf16, #tpu.memory_space<vmem_shared>>
    tpu.wait_indirect_dma semaphore(%arg20 : memref<!tpu.dma_semaphore, #tpu.memory_space<semaphore_mem>>) src(%arg12 : memref<128x128xbf16, #tpu.memory_space<vmem>>) dst(%dma_wait3A_111 : memref<10240x128xbf16, #tpu.memory_space<vmem_shared>>)
    %dma_wait3A_112 = arith.constant 39 : i32
    %dma_wait3A_113 = arith.constant 0 : i32
    %dma_wait3A_114 = tpu.memref_slice %arg7[%dma_wait3A_112, %dma_wait3A_113] : memref<40x128xi32, #tpu.memory_space<vmem>> -> memref<1x128xi32, #tpu.memory_space<vmem>>
    %dma_wait3A_115 = tpu.memref_squeeze %dma_wait3A_114 : memref<1x128xi32, #tpu.memory_space<vmem>> -> memref<128xi32, #tpu.memory_space<vmem>>
    %dma_wait3A_116 = arith.constant 0 : i32
    %dma_wait3A_117 = arith.constant 0 : i32
    %dma_wait3A_118 = tpu.memref_slice %arg8[%dma_wait3A_116, %dma_wait3A_117] : memref<10240x128xbf16, #tpu.memory_space<vmem_shared>> -> memref<10240x128xbf16, #tpu.memory_space<vmem_shared>>
    tpu.wait_indirect_dma semaphore(%arg21 : memref<!tpu.dma_semaphore, #tpu.memory_space<semaphore_mem>>) src(%arg13 : memref<128x128xbf16, #tpu.memory_space<vmem>>) dst(%dma_wait3A_118 : memref<10240x128xbf16, #tpu.memory_space<vmem_shared>>)
    %barrier3A_119 = arith.constant 0 : index
    tpu.barrier barrier_id(%barrier3A_119)
    %add3A_120 = arith.constant 0 : i32
    %add3A_121 = arith.addi %mul3A_1, %add3A_120 : i32
    %add3A_122 = arith.constant 0 : i32
    %add3A_123 = arith.addi %mul3A_1, %add3A_122 : i32
    "tpu.region"() ({
      %run_scoped3A = tpu.sem_alloc : memref<!tpu.dma_semaphore, #tpu.memory_space<semaphore_mem>>
      %dma_start3A_140 = arith.constant 0 : i32
      %dma_start3A_141 = tpu.memref_slice %arg5[%arg0, %add3A_123, %dma_start3A_140] : memref<2x10240x128xbf16, #tpu.memory_space<hbm>> -> memref<1x128x128xbf16, #tpu.memory_space<hbm>>
      %dma_start3A_142 = tpu.memref_squeeze %dma_start3A_141 : memref<1x128x128xbf16, #tpu.memory_space<hbm>> -> memref<128x128xbf16, #tpu.memory_space<hbm>>
      %dma_start3A_143 = arith.constant 0 : i32
      %dma_start3A_144 = tpu.memref_slice %arg8[%add3A_121, %dma_start3A_143] : memref<10240x128xbf16, #tpu.memory_space<vmem_shared>> -> memref<128x128xbf16, #tpu.memory_space<vmem_shared>>
      tpu.enqueue_dma source(%dma_start3A_144 : memref<128x128xbf16, #tpu.memory_space<vmem_shared>>) target(%dma_start3A_142 : memref<128x128xbf16, #tpu.memory_space<hbm>>) target_semaphore(%run_scoped3A : memref<!tpu.dma_semaphore, #tpu.memory_space<semaphore_mem>>)
      %dma_wait3A_145 = arith.constant 0 : i32
      %dma_wait3A_146 = tpu.memref_slice %arg5[%arg0, %add3A_123, %dma_wait3A_145] : memref<2x10240x128xbf16, #tpu.memory_space<hbm>> -> memref<1x128x128xbf16, #tpu.memory_space<hbm>>
      %dma_wait3A_147 = tpu.memref_squeeze %dma_wait3A_146 : memref<1x128x128xbf16, #tpu.memory_space<hbm>> -> memref<128x128xbf16, #tpu.memory_space<hbm>>
      %dma_wait3A_148 = arith.constant 0 : i32
      %dma_wait3A_149 = tpu.memref_slice %arg8[%add3A_121, %dma_wait3A_148] : memref<10240x128xbf16, #tpu.memory_space<vmem_shared>> -> memref<128x128xbf16, #tpu.memory_space<vmem_shared>>
      tpu.wait_dma2 semaphore(%run_scoped3A : memref<!tpu.dma_semaphore, #tpu.memory_space<semaphore_mem>>) src(%dma_wait3A_149 : memref<128x128xbf16, #tpu.memory_space<vmem_shared>>) dst(%dma_wait3A_147 : memref<128x128xbf16, #tpu.memory_space<hbm>>)
      tpu.yield
    }) : () -> ()
    %add3A_124 = arith.constant 128 : i32
    %add3A_125 = arith.addi %mul3A_1, %add3A_124 : i32
    %add3A_126 = arith.constant 128 : i32
    %add3A_127 = arith.addi %mul3A_1, %add3A_126 : i32
    "tpu.region"() ({
      %run_scoped3A = tpu.sem_alloc : memref<!tpu.dma_semaphore, #tpu.memory_space<semaphore_mem>>
      %dma_start3A_140 = arith.constant 0 : i32
      %dma_start3A_141 = tpu.memref_slice %arg5[%arg0, %add3A_127, %dma_start3A_140] : memref<2x10240x128xbf16, #tpu.memory_space<hbm>> -> memref<1x128x128xbf16, #tpu.memory_space<hbm>>
      %dma_start3A_142 = tpu.memref_squeeze %dma_start3A_141 : memref<1x128x128xbf16, #tpu.memory_space<hbm>> -> memref<128x128xbf16, #tpu.memory_space<hbm>>
      %dma_start3A_143 = arith.constant 0 : i32
      %dma_start3A_144 = tpu.memref_slice %arg8[%add3A_125, %dma_start3A_143] : memref<10240x128xbf16, #tpu.memory_space<vmem_shared>> -> memref<128x128xbf16, #tpu.memory_space<vmem_shared>>
      tpu.enqueue_dma source(%dma_start3A_144 : memref<128x128xbf16, #tpu.memory_space<vmem_shared>>) target(%dma_start3A_142 : memref<128x128xbf16, #tpu.memory_space<hbm>>) target_semaphore(%run_scoped3A : memref<!tpu.dma_semaphore, #tpu.memory_space<semaphore_mem>>)
      %dma_wait3A_145 = arith.constant 0 : i32
      %dma_wait3A_146 = tpu.memref_slice %arg5[%arg0, %add3A_127, %dma_wait3A_145] : memref<2x10240x128xbf16, #tpu.memory_space<hbm>> -> memref<1x128x128xbf16, #tpu.memory_space<hbm>>
      %dma_wait3A_147 = tpu.memref_squeeze %dma_wait3A_146 : memref<1x128x128xbf16, #tpu.memory_space<hbm>> -> memref<128x128xbf16, #tpu.memory_space<hbm>>
      %dma_wait3A_148 = arith.constant 0 : i32
      %dma_wait3A_149 = tpu.memref_slice %arg8[%add3A_125, %dma_wait3A_148] : memref<10240x128xbf16, #tpu.memory_space<vmem_shared>> -> memref<128x128xbf16, #tpu.memory_space<vmem_shared>>
      tpu.wait_dma2 semaphore(%run_scoped3A : memref<!tpu.dma_semaphore, #tpu.memory_space<semaphore_mem>>) src(%dma_wait3A_149 : memref<128x128xbf16, #tpu.memory_space<vmem_shared>>) dst(%dma_wait3A_147 : memref<128x128xbf16, #tpu.memory_space<hbm>>)
      tpu.yield
    }) : () -> ()
    %add3A_128 = arith.constant 256 : i32
    %add3A_129 = arith.addi %mul3A_1, %add3A_128 : i32
    %add3A_130 = arith.constant 256 : i32
    %add3A_131 = arith.addi %mul3A_1, %add3A_130 : i32
    "tpu.region"() ({
      %run_scoped3A = tpu.sem_alloc : memref<!tpu.dma_semaphore, #tpu.memory_space<semaphore_mem>>
      %dma_start3A_140 = arith.constant 0 : i32
      %dma_start3A_141 = tpu.memref_slice %arg5[%arg0, %add3A_131, %dma_start3A_140] : memref<2x10240x128xbf16, #tpu.memory_space<hbm>> -> memref<1x128x128xbf16, #tpu.memory_space<hbm>>
      %dma_start3A_142 = tpu.memref_squeeze %dma_start3A_141 : memref<1x128x128xbf16, #tpu.memory_space<hbm>> -> memref<128x128xbf16, #tpu.memory_space<hbm>>
      %dma_start3A_143 = arith.constant 0 : i32
      %dma_start3A_144 = tpu.memref_slice %arg8[%add3A_129, %dma_start3A_143] : memref<10240x128xbf16, #tpu.memory_space<vmem_shared>> -> memref<128x128xbf16, #tpu.memory_space<vmem_shared>>
      tpu.enqueue_dma source(%dma_start3A_144 : memref<128x128xbf16, #tpu.memory_space<vmem_shared>>) target(%dma_start3A_142 : memref<128x128xbf16, #tpu.memory_space<hbm>>) target_semaphore(%run_scoped3A : memref<!tpu.dma_semaphore, #tpu.memory_space<semaphore_mem>>)
      %dma_wait3A_145 = arith.constant 0 : i32
      %dma_wait3A_146 = tpu.memref_slice %arg5[%arg0, %add3A_131, %dma_wait3A_145] : memref<2x10240x128xbf16, #tpu.memory_space<hbm>> -> memref<1x128x128xbf16, #tpu.memory_space<hbm>>
      %dma_wait3A_147 = tpu.memref_squeeze %dma_wait3A_146 : memref<1x128x128xbf16, #tpu.memory_space<hbm>> -> memref<128x128xbf16, #tpu.memory_space<hbm>>
      %dma_wait3A_148 = arith.constant 0 : i32
      %dma_wait3A_149 = tpu.memref_slice %arg8[%add3A_129, %dma_wait3A_148] : memref<10240x128xbf16, #tpu.memory_space<vmem_shared>> -> memref<128x128xbf16, #tpu.memory_space<vmem_shared>>
      tpu.wait_dma2 semaphore(%run_scoped3A : memref<!tpu.dma_semaphore, #tpu.memory_space<semaphore_mem>>) src(%dma_wait3A_149 : memref<128x128xbf16, #tpu.memory_space<vmem_shared>>) dst(%dma_wait3A_147 : memref<128x128xbf16, #tpu.memory_space<hbm>>)
      tpu.yield
    }) : () -> ()
    %add3A_132 = arith.constant 384 : i32
    %add3A_133 = arith.addi %mul3A_1, %add3A_132 : i32
    %add3A_134 = arith.constant 384 : i32
    %add3A_135 = arith.addi %mul3A_1, %add3A_134 : i32
    "tpu.region"() ({
      %run_scoped3A = tpu.sem_alloc : memref<!tpu.dma_semaphore, #tpu.memory_space<semaphore_mem>>
      %dma_start3A_140 = arith.constant 0 : i32
      %dma_start3A_141 = tpu.memref_slice %arg5[%arg0, %add3A_135, %dma_start3A_140] : memref<2x10240x128xbf16, #tpu.memory_space<hbm>> -> memref<1x128x128xbf16, #tpu.memory_space<hbm>>
      %dma_start3A_142 = tpu.memref_squeeze %dma_start3A_141 : memref<1x128x128xbf16, #tpu.memory_space<hbm>> -> memref<128x128xbf16, #tpu.memory_space<hbm>>
      %dma_start3A_143 = arith.constant 0 : i32
      %dma_start3A_144 = tpu.memref_slice %arg8[%add3A_133, %dma_start3A_143] : memref<10240x128xbf16, #tpu.memory_space<vmem_shared>> -> memref<128x128xbf16, #tpu.memory_space<vmem_shared>>
      tpu.enqueue_dma source(%dma_start3A_144 : memref<128x128xbf16, #tpu.memory_space<vmem_shared>>) target(%dma_start3A_142 : memref<128x128xbf16, #tpu.memory_space<hbm>>) target_semaphore(%run_scoped3A : memref<!tpu.dma_semaphore, #tpu.memory_space<semaphore_mem>>)
      %dma_wait3A_145 = arith.constant 0 : i32
      %dma_wait3A_146 = tpu.memref_slice %arg5[%arg0, %add3A_135, %dma_wait3A_145] : memref<2x10240x128xbf16, #tpu.memory_space<hbm>> -> memref<1x128x128xbf16, #tpu.memory_space<hbm>>
      %dma_wait3A_147 = tpu.memref_squeeze %dma_wait3A_146 : memref<1x128x128xbf16, #tpu.memory_space<hbm>> -> memref<128x128xbf16, #tpu.memory_space<hbm>>
      %dma_wait3A_148 = arith.constant 0 : i32
      %dma_wait3A_149 = tpu.memref_slice %arg8[%add3A_133, %dma_wait3A_148] : memref<10240x128xbf16, #tpu.memory_space<vmem_shared>> -> memref<128x128xbf16, #tpu.memory_space<vmem_shared>>
      tpu.wait_dma2 semaphore(%run_scoped3A : memref<!tpu.dma_semaphore, #tpu.memory_space<semaphore_mem>>) src(%dma_wait3A_149 : memref<128x128xbf16, #tpu.memory_space<vmem_shared>>) dst(%dma_wait3A_147 : memref<128x128xbf16, #tpu.memory_space<hbm>>)
      tpu.yield
    }) : () -> ()
    %add3A_136 = arith.constant 512 : i32
    %add3A_137 = arith.addi %mul3A_1, %add3A_136 : i32
    %add3A_138 = arith.constant 512 : i32
    %add3A_139 = arith.addi %mul3A_1, %add3A_138 : i32
    "tpu.region"() ({
      %run_scoped3A = tpu.sem_alloc : memref<!tpu.dma_semaphore, #tpu.memory_space<semaphore_mem>>
      %dma_start3A_140 = arith.constant 0 : i32
      %dma_start3A_141 = tpu.memref_slice %arg5[%arg0, %add3A_139, %dma_start3A_140] : memref<2x10240x128xbf16, #tpu.memory_space<hbm>> -> memref<1x128x128xbf16, #tpu.memory_space<hbm>>
      %dma_start3A_142 = tpu.memref_squeeze %dma_start3A_141 : memref<1x128x128xbf16, #tpu.memory_space<hbm>> -> memref<128x128xbf16, #tpu.memory_space<hbm>>
      %dma_start3A_143 = arith.constant 0 : i32
      %dma_start3A_144 = tpu.memref_slice %arg8[%add3A_137, %dma_start3A_143] : memref<10240x128xbf16, #tpu.memory_space<vmem_shared>> -> memref<128x128xbf16, #tpu.memory_space<vmem_shared>>
      tpu.enqueue_dma source(%dma_start3A_144 : memref<128x128xbf16, #tpu.memory_space<vmem_shared>>) target(%dma_start3A_142 : memref<128x128xbf16, #tpu.memory_space<hbm>>) target_semaphore(%run_scoped3A : memref<!tpu.dma_semaphore, #tpu.memory_space<semaphore_mem>>)
      %dma_wait3A_145 = arith.constant 0 : i32
      %dma_wait3A_146 = tpu.memref_slice %arg5[%arg0, %add3A_139, %dma_wait3A_145] : memref<2x10240x128xbf16, #tpu.memory_space<hbm>> -> memref<1x128x128xbf16, #tpu.memory_space<hbm>>
      %dma_wait3A_147 = tpu.memref_squeeze %dma_wait3A_146 : memref<1x128x128xbf16, #tpu.memory_space<hbm>> -> memref<128x128xbf16, #tpu.memory_space<hbm>>
      %dma_wait3A_148 = arith.constant 0 : i32
      %dma_wait3A_149 = tpu.memref_slice %arg8[%add3A_137, %dma_wait3A_148] : memref<10240x128xbf16, #tpu.memory_space<vmem_shared>> -> memref<128x128xbf16, #tpu.memory_space<vmem_shared>>
      tpu.wait_dma2 semaphore(%run_scoped3A : memref<!tpu.dma_semaphore, #tpu.memory_space<semaphore_mem>>) src(%dma_wait3A_149 : memref<128x128xbf16, #tpu.memory_space<vmem_shared>>) dst(%dma_wait3A_147 : memref<128x128xbf16, #tpu.memory_space<hbm>>)
      tpu.yield
    }) : () -> ()
    return
  }
}

module attributes {stable_mosaic.version = 14 : i64} {
  func.func @_prep_kernel(%arg0: memref<2x10240x1xf32, #tpu.memory_space<vmem>>, %arg1: memref<10240x128xf32, #tpu.memory_space<vmem>>, %arg2: memref<10240x128xbf16, #tpu.memory_space<vmem>>) attributes {dimension_semantics = [], scalar_prefetch = 0 : i64, scratch_operands = 0 : i64, tpu.core_type = #tpu.core_type<tc>} {
    %get3A = arith.constant 0 : index
    %get3A_0 = arith.constant 0 : index
    %get3A_1 = arith.constant 0 : index
    %get3A_2 = vector.load %arg0[%get3A, %get3A_0, %get3A_1] : memref<2x10240x1xf32, #tpu.memory_space<vmem>>, vector<1x10240x1xf32>
    %get3A_3 = vector.shape_cast %get3A_2 : vector<1x10240x1xf32> to vector<10240x1xf32>
    %get3A_4 = arith.constant 1 : index
    %get3A_5 = arith.constant 0 : index
    %get3A_6 = arith.constant 0 : index
    %get3A_7 = vector.load %arg0[%get3A_4, %get3A_5, %get3A_6] : memref<2x10240x1xf32, #tpu.memory_space<vmem>>, vector<1x10240x1xf32>
    %get3A_8 = vector.shape_cast %get3A_7 : vector<1x10240x1xf32> to vector<10240x1xf32>
    %add3A = arith.addf %get3A_3, %get3A_8 : vector<10240x1xf32>
    %add3A_9 = arith.constant 1.000000e+00 : f32
    %add3A_10 = vector.broadcast %add3A_9 : f32 to vector<10240x1xf32>
    %add3A_11 = arith.addf %add3A, %add3A_10 : vector<10240x1xf32>
    %rsqrt3A = math.rsqrt %add3A_11 : vector<10240x1xf32>
    %get3A_12 = arith.constant 0 : index
    %get3A_13 = arith.constant 0 : index
    %get3A_14 = vector.load %arg1[%get3A_12, %get3A_13] : memref<10240x128xf32, #tpu.memory_space<vmem>>, vector<10240x128xf32>
    %mul3A = vector.broadcast %rsqrt3A : vector<10240x1xf32> to vector<10240x128xf32>
    %mul3A_15 = arith.mulf %get3A_14, %mul3A : vector<10240x128xf32>
    %convert_element_type3A = arith.truncf %mul3A_15 : vector<10240x128xf32> to vector<10240x128xbf16>
    %swap3A = arith.constant 0 : index
    %swap3A_16 = arith.constant 0 : index
    %swap3A_17 = vector.load %arg2[%swap3A, %swap3A_16] : memref<10240x128xbf16, #tpu.memory_space<vmem>>, vector<10240x128xbf16>
    tpu.vector_store %arg2[%swap3A, %swap3A_16], %convert_element_type3A {strides = array<i32>} : memref<10240x128xbf16, #tpu.memory_space<vmem>>, vector<10240x128xbf16>,
    return
  }
}

module attributes {stable_mosaic.version = 14 : i64} {
  func.func @_self_kernel(%arg0: i32, %arg1: memref<2x640x1xf32, #tpu.memory_space<vmem>>, %arg2: memref<640x128xf32, #tpu.memory_space<vmem>>, %arg3: memref<128x512xf32, #tpu.memory_space<vmem>>, %arg4: memref<640x512xf32, #tpu.memory_space<vmem>>) attributes {dimension_semantics = [#tpu.dimension_semantics<arbitrary>], iteration_bounds = array<i64: 16>, scalar_prefetch = 0 : i64, scratch_operands = 0 : i64, tpu.core_type = #tpu.core_type<tc>, window_params = [{transform_indices = @transform_0, window_bounds = array<i64: 2, 640, 1>}, {transform_indices = @transform_1, window_bounds = array<i64: 640, 128>}, {pipeline_mode = #tpu.pipeline_mode<synchronous>, transform_indices = @transform_2, window_bounds = array<i64: 128, 512>}, {transform_indices = @transform_3, window_bounds = array<i64: 640, 512>}]} {
    %get3A = arith.constant 0 : index
    %get3A_0 = arith.constant 0 : index
    %get3A_1 = arith.constant 0 : index
    %get3A_2 = vector.load %arg1[%get3A, %get3A_0, %get3A_1] : memref<2x640x1xf32, #tpu.memory_space<vmem>>, vector<1x640x1xf32>
    %get3A_3 = vector.shape_cast %get3A_2 : vector<1x640x1xf32> to vector<640x1xf32>
    %get3A_4 = arith.constant 1 : index
    %get3A_5 = arith.constant 0 : index
    %get3A_6 = arith.constant 0 : index
    %get3A_7 = vector.load %arg1[%get3A_4, %get3A_5, %get3A_6] : memref<2x640x1xf32, #tpu.memory_space<vmem>>, vector<1x640x1xf32>
    %get3A_8 = vector.shape_cast %get3A_7 : vector<1x640x1xf32> to vector<640x1xf32>
    %add3A = arith.addf %get3A_3, %get3A_8 : vector<640x1xf32>
    %add3A_9 = arith.constant 1.000000e+00 : f32
    %add3A_10 = vector.broadcast %add3A_9 : f32 to vector<640x1xf32>
    %add3A_11 = arith.addf %add3A, %add3A_10 : vector<640x1xf32>
    %rsqrt3A = math.rsqrt %add3A_11 : vector<640x1xf32>
    %mul3A = arith.mulf %rsqrt3A, %rsqrt3A : vector<640x1xf32>
    %get3A_12 = arith.constant 0 : index
    %get3A_13 = arith.constant 0 : index
    %get3A_14 = vector.load %arg2[%get3A_12, %get3A_13] : memref<640x128xf32, #tpu.memory_space<vmem>>, vector<640x128xf32>
    %mul3A_15 = vector.broadcast %mul3A : vector<640x1xf32> to vector<640x128xf32>
    %mul3A_16 = arith.mulf %mul3A_15, %get3A_14 : vector<640x128xf32>
    %get3A_17 = arith.constant 0 : index
    %get3A_18 = arith.constant 0 : index
    %get3A_19 = vector.load %arg3[%get3A_17, %get3A_18] : memref<128x512xf32, #tpu.memory_space<vmem>>, vector<128x512xf32>
    %dot_general3A = arith.constant dense<0.000000e+00> : vector<640x512xf32>
    %dot_general3A_20 = tpu.matmul %mul3A_16, %get3A_19, %dot_general3A {dimension_numbers = #tpu.dot_dimension_numbers<[1], [0], [0], [1], [0, 0, 1, 1], [], []>, transpose_lhs_hint = false} : vector<640x128xf32>, vector<128x512xf32>, vector<640x512xf32> -> vector<640x512xf32>
    %swap3A = arith.constant 0 : index
    %swap3A_21 = arith.constant 0 : index
    %swap3A_22 = vector.load %arg4[%swap3A, %swap3A_21] : memref<640x512xf32, #tpu.memory_space<vmem>>, vector<640x512xf32>
    tpu.vector_store %arg4[%swap3A, %swap3A_21], %dot_general3A_20 {strides = array<i32>} : memref<640x512xf32, #tpu.memory_space<vmem>>, vector<640x512xf32>,
    return
  }
  func.func @transform_0(%arg0: i32) -> (i32, i32, i32) {
    %c0_i32 = arith.constant 0 : i32
    %c0_i32_0 = arith.constant 0 : i32
    %c0_i32_1 = arith.constant 0 : i32
    return %c0_i32, %arg0, %c0_i32_0 : i32, i32, i32
  }
  func.func @transform_1(%arg0: i32) -> (i32, i32) {
    %c0_i32 = arith.constant 0 : i32
    %c0_i32_0 = arith.constant 0 : i32
    return %arg0, %c0_i32 : i32, i32
  }
  func.func @transform_2(%arg0: i32) -> (i32, i32) {
    %c0_i32 = arith.constant 0 : i32
    %c0_i32_0 = arith.constant 0 : i32
    %c0_i32_1 = arith.constant 0 : i32
    return %c0_i32, %c0_i32_0 : i32, i32
  }
  func.func @transform_3(%arg0: i32) -> (i32, i32) {
    %c0_i32 = arith.constant 0 : i32
    %c0_i32_0 = arith.constant 0 : i32
    return %arg0, %c0_i32 : i32, i32
  }
}

module attributes {stable_mosaic.version = 14 : i64} {
  func.func @_out_kernel(%arg0: i32, %arg1: memref<2x640x128xbf16, #tpu.memory_space<vmem>>, %arg2: memref<2x640x1xf32, #tpu.memory_space<vmem>>, %arg3: memref<640x512xf32, #tpu.memory_space<vmem>>, %arg4: memref<128x512xf32, #tpu.memory_space<vmem>>, %arg5: memref<1x512xf32, #tpu.memory_space<vmem>>, %arg6: memref<1x512xf32, #tpu.memory_space<vmem>>, %arg7: memref<640x512xf32, #tpu.memory_space<vmem>>) attributes {dimension_semantics = [#tpu.dimension_semantics<arbitrary>], iteration_bounds = array<i64: 16>, scalar_prefetch = 0 : i64, scratch_operands = 0 : i64, tpu.core_type = #tpu.core_type<tc>, window_params = [{transform_indices = @transform_0, window_bounds = array<i64: 2, 640, 128>}, {transform_indices = @transform_1, window_bounds = array<i64: 2, 640, 1>}, {transform_indices = @transform_2, window_bounds = array<i64: 640, 512>}, {pipeline_mode = #tpu.pipeline_mode<synchronous>, transform_indices = @transform_3, window_bounds = array<i64: 128, 512>}, {pipeline_mode = #tpu.pipeline_mode<synchronous>, transform_indices = @transform_4, window_bounds = array<i64: 1, 512>}, {pipeline_mode = #tpu.pipeline_mode<synchronous>, transform_indices = @transform_5, window_bounds = array<i64: 1, 512>}, {transform_indices = @transform_6, window_bounds = array<i64: 640, 512>}]} {
    %get3A = arith.constant 0 : index
    %get3A_0 = arith.constant 0 : index
    %get3A_1 = arith.constant 0 : index
    %get3A_2 = vector.load %arg2[%get3A, %get3A_0, %get3A_1] : memref<2x640x1xf32, #tpu.memory_space<vmem>>, vector<1x640x1xf32>
    %get3A_3 = vector.shape_cast %get3A_2 : vector<1x640x1xf32> to vector<640x1xf32>
    %get3A_4 = arith.constant 1 : index
    %get3A_5 = arith.constant 0 : index
    %get3A_6 = arith.constant 0 : index
    %get3A_7 = vector.load %arg2[%get3A_4, %get3A_5, %get3A_6] : memref<2x640x1xf32, #tpu.memory_space<vmem>>, vector<1x640x1xf32>
    %get3A_8 = vector.shape_cast %get3A_7 : vector<1x640x1xf32> to vector<640x1xf32>
    %add3A = arith.addf %get3A_3, %get3A_8 : vector<640x1xf32>
    %add3A_9 = arith.constant 1.000000e+00 : f32
    %add3A_10 = vector.broadcast %add3A_9 : f32 to vector<640x1xf32>
    %add3A_11 = arith.addf %add3A, %add3A_10 : vector<640x1xf32>
    %rsqrt3A = math.rsqrt %add3A_11 : vector<640x1xf32>
    %get3A_12 = arith.constant 0 : index
    %get3A_13 = arith.constant 0 : index
    %get3A_14 = arith.constant 0 : index
    %get3A_15 = vector.load %arg1[%get3A_12, %get3A_13, %get3A_14] : memref<2x640x128xbf16, #tpu.memory_space<vmem>>, vector<1x640x128xbf16>
    %get3A_16 = vector.shape_cast %get3A_15 : vector<1x640x128xbf16> to vector<640x128xbf16>
    %convert_element_type3A = arith.extf %get3A_16 : vector<640x128xbf16> to vector<640x128xf32>
    %get3A_17 = arith.constant 1 : index
    %get3A_18 = arith.constant 0 : index
    %get3A_19 = arith.constant 0 : index
    %get3A_20 = vector.load %arg1[%get3A_17, %get3A_18, %get3A_19] : memref<2x640x128xbf16, #tpu.memory_space<vmem>>, vector<1x640x128xbf16>
    %get3A_21 = vector.shape_cast %get3A_20 : vector<1x640x128xbf16> to vector<640x128xbf16>
    %convert_element_type3A_22 = arith.extf %get3A_21 : vector<640x128xbf16> to vector<640x128xf32>
    %add3A_23 = arith.addf %convert_element_type3A, %convert_element_type3A_22 : vector<640x128xf32>
    %mul3A = vector.broadcast %rsqrt3A : vector<640x1xf32> to vector<640x128xf32>
    %mul3A_24 = arith.mulf %mul3A, %add3A_23 : vector<640x128xf32>
    %get3A_25 = arith.constant 0 : index
    %get3A_26 = arith.constant 0 : index
    %get3A_27 = vector.load %arg4[%get3A_25, %get3A_26] : memref<128x512xf32, #tpu.memory_space<vmem>>, vector<128x512xf32>
    %dot_general3A = arith.constant dense<0.000000e+00> : vector<640x512xf32>
    %dot_general3A_28 = tpu.matmul %mul3A_24, %get3A_27, %dot_general3A {dimension_numbers = #tpu.dot_dimension_numbers<[1], [0], [0], [1], [0, 0, 1, 1], [], []>, transpose_lhs_hint = false} : vector<640x128xf32>, vector<128x512xf32>, vector<640x512xf32> -> vector<640x512xf32>
    %get3A_29 = arith.constant 0 : index
    %get3A_30 = arith.constant 0 : index
    %get3A_31 = vector.load %arg3[%get3A_29, %get3A_30] : memref<640x512xf32, #tpu.memory_space<vmem>>, vector<640x512xf32>
    %add3A_32 = arith.addf %dot_general3A_28, %get3A_31 : vector<640x512xf32>
    %get3A_33 = arith.constant 0 : index
    %get3A_34 = arith.constant 0 : index
    %get3A_35 = vector.load %arg5[%get3A_33, %get3A_34] : memref<1x512xf32, #tpu.memory_space<vmem>>, vector<1x512xf32>
    %add3A_36 = vector.broadcast %get3A_35 : vector<1x512xf32> to vector<640x512xf32>
    %add3A_37 = arith.addf %add3A_32, %add3A_36 : vector<640x512xf32>
    %ge3A = arith.constant 0.000000e+00 : f32
    %ge3A_38 = vector.broadcast %ge3A : f32 to vector<640x512xf32>
    %ge3A_39 = arith.cmpf oge, %add3A_37, %ge3A_38 : vector<640x512xf32>
    %get3A_40 = arith.constant 0 : index
    %get3A_41 = arith.constant 0 : index
    %get3A_42 = vector.load %arg6[%get3A_40, %get3A_41] : memref<1x512xf32, #tpu.memory_space<vmem>>, vector<1x512xf32>
    %mul3A_43 = vector.broadcast %get3A_42 : vector<1x512xf32> to vector<640x512xf32>
    %mul3A_44 = arith.mulf %mul3A_43, %add3A_37 : vector<640x512xf32>
    %select_n3A = arith.select %ge3A_39, %add3A_37, %mul3A_44 : vector<640x512xi1>, vector<640x512xf32>
    %swap3A = arith.constant 0 : index
    %swap3A_45 = arith.constant 0 : index
    %swap3A_46 = vector.load %arg7[%swap3A, %swap3A_45] : memref<640x512xf32, #tpu.memory_space<vmem>>, vector<640x512xf32>
    tpu.vector_store %arg7[%swap3A, %swap3A_45], %select_n3A {strides = array<i32>} : memref<640x512xf32, #tpu.memory_space<vmem>>, vector<640x512xf32>,
    return
  }
  func.func @transform_0(%arg0: i32) -> (i32, i32, i32) {
    %c0_i32 = arith.constant 0 : i32
    %c0_i32_0 = arith.constant 0 : i32
    %c0_i32_1 = arith.constant 0 : i32
    return %c0_i32, %arg0, %c0_i32_0 : i32, i32, i32
  }
  func.func @transform_1(%arg0: i32) -> (i32, i32, i32) {
    %c0_i32 = arith.constant 0 : i32
    %c0_i32_0 = arith.constant 0 : i32
    %c0_i32_1 = arith.constant 0 : i32
    return %c0_i32, %arg0, %c0_i32_0 : i32, i32, i32
  }
  func.func @transform_2(%arg0: i32) -> (i32, i32) {
    %c0_i32 = arith.constant 0 : i32
    %c0_i32_0 = arith.constant 0 : i32
    return %arg0, %c0_i32 : i32, i32
  }
  func.func @transform_3(%arg0: i32) -> (i32, i32) {
    %c0_i32 = arith.constant 0 : i32
    %c0_i32_0 = arith.constant 0 : i32
    %c0_i32_1 = arith.constant 0 : i32
    return %c0_i32, %c0_i32_0 : i32, i32
  }
  func.func @transform_4(%arg0: i32) -> (i32, i32) {
    %c0_i32 = arith.constant 0 : i32
    %c0_i32_0 = arith.constant 0 : i32
    %c0_i32_1 = arith.constant 0 : i32
    return %c0_i32, %c0_i32_0 : i32, i32
  }
  func.func @transform_5(%arg0: i32) -> (i32, i32) {
    %c0_i32 = arith.constant 0 : i32
    %c0_i32_0 = arith.constant 0 : i32
    %c0_i32_1 = arith.constant 0 : i32
    return %c0_i32, %c0_i32_0 : i32, i32
  }
  func.func @transform_6(%arg0: i32) -> (i32, i32) {
    %c0_i32 = arith.constant 0 : i32
    %c0_i32_0 = arith.constant 0 : i32
    return %arg0, %c0_i32 : i32, i32
  }
}

</mosaic_0001>

<sc_bundles>
// kernel: kernel.10.cloned.1.call-start
scs
__scs_entry_jumppad:
0x0: {  	(pc) =	sbr.rel $0x88, $3  }
0x1: {  	(tag) =	ssettag $0x0;
	lr =	simm.s32 $0x1  }
0x2: {  	[smem:$0x3F9C] =	sst lr;
	_ =	strace $0xD0000000  }
0x3: {  	_ = 	snop  }
0x4: {  	_ = 	snop  }
0x5: {  	_ = 	snop  }
0x6: {  	_ = 	snop  }
0x7: {  	_ = 	snop  }
__scs_overlays_trampoline_lowered:
0x8: {  	[smem:$0x3FAB] =	sst s0  }
0x9: {  	[smem:$0x3FAC] =	sst s1  }
0xa: {  	[smem:$0x3FAD] =	sst s2  }
0xb: {  	[smem:$0x3FAE] =	sst s3  }
0xc: {  	[smem:$0x3FAF] =	sst s4  }
0xd: {  	[smem:$0x3FB0] =	sst s5  }
0xe: {  	[smem:$0x3FB1] =	sst s6  }
0xf: {  	[smem:$0x3FB2] =	sst s7  }
0x10: {  	[smem:$0x3FB3] =	sst s8  }
0x11: {  	[smem:$0x3FB4] =	sst s9;
	s0 =	simm.s32 @!p0 $0x0  }
0x12: {  	s1 =	sld [smem:$0x3F9A];
	s0 =	simm.s32 @p0 $0x1  }
0x13: {  	[smem:$0x3FB5] =	sst s0;
	s0 =	simm.s32 @!p1 $0x0  }
0x14: {  	s2 =	sld [smem:$0x3F99];
	s0 =	simm.s32 @p1 $0x1  }
0x15: {  	[smem:$0x3FB6] =	sst s0;
	s0 =	simm.s32 @!p2 $0x0  }
0x16: {  	s3 =	sld [smem:$0x3FDB];
	s0 =	simm.s32 @p2 $0x1  }
0x17: {  	s4 =	simm.s32 $0x1BF5;
	[smem:$0x3FB8] =	sst s0  }
0x18: {  	s0 =	sld [smem:$0x3F9B];
	_ =	swait.ge [sflag:s4], $0x0  }
0x19: {  	s7 =	sld [smem:$0x3F9C]  }
0x1a: {  	s8 =	sadd.s32 $0xFFFFE003, lr  }
0x1b: {  	s9 =	sadd.s32 $0xFFFFFEF7, lr;
	s5 =	simm.s32 $0xFFFFFFFF;
	p2 =	slt.u32 s8, $0xFFFFF086  }
0x1c: {  	p1 =	slt.u32 s9, $0xF7A;
	s5 =	simm.s32 @!p2 $0x0  }
0x1d: {  	s5 =	simm.s32 @p1 $0x1;
	p0 =	seq.s32 s7, s2  }
0x1e: {  	s7 =	smul.u32 @!p0 $0xF7A, s2;
	p2 =	seq.s32 @!p0 s5, $0x0  }
0x1f: {  	s9 =	smul.u32 $0xF7A, s1;
	s8 =	simm.s32 @!p0 $0x1BF5;
	p2 =	por !p2, p0  }
0x20: {  	[sflag:s8] =	ssyncset.s32 @!p0 $0xFFFFF086;
	s6 =	sadd.s32 @!p0 s3, s7;
	s7 =	simm.s32 @!p0 $0x108  }
0x21: {  	s3 =	sadd.s32 s3, s9;
	s6 =	sadd.s32 @!p0 $0x88, s6;
	s7 =	simm.s32 @p2 $0x1082  }
0x22: {  	[simem:s7], [sflag:s8] =	dma.local @!p0 [hbm:s6], $0xF7A  }
0x23: {  	s9 =	sor.u32 $0xD0000000, s2;
	s6 =	simm.s32 $0x108;
	_ =	swait.ge @!p0 [sflag:s8], $0x0  }
0x24: {  	s3 =	sadd.s32 $0x88, s3;
	s6 =	simm.s32 @!p1 $0x1082;
	[sflag:s4] =	ssyncset.s32 $0xFFFFF086  }
0x25: {  	[simem:s6], [sflag:s4] =	dma.local [hbm:s3], $0xF7A  }
0x26: {  	[smem:$0x3F9C] =	sst s1;
	(tag) =	ssettag s2;
	_ =	strace s9  }
0x27: {  	s1 =	sld [smem:$0x3FAC]  }
0x28: {  	s2 =	sld [smem:$0x3FAD]  }
0x29: {  	s4 =	sld [smem:$0x3FAF]  }
0x2a: {  	p0 =	seq.s32 s5, $0x0;
	s5 =	sld [smem:$0x3FB0]  }
0x2b: {  	s6 =	sld [smem:$0x3FB1]  }
0x2c: {  	s7 =	sld [smem:$0x3FB2]  }
0x2d: {  	s3 =	simm.s32 $0x108;
	s8 =	sld [smem:$0x3FB3]  }
0x2e: {  	s3 =	simm.s32 @!p0 $0x1082;
	s9 =	sld [smem:$0x3FB4]  }
0x2f: {  	lr =	sadd.s32 s0, s3;
	s0 =	sld [smem:$0x3FAB]  }
0x30: {  	s3 =	sld [smem:$0x3FAE]  }
0x31: {  	[smem:$0x3FB7] =	sst s10  }
0x32: {  	s10 =	sld [smem:$0x3FB5];
	_ =	sdelay $0x3  }
0x33: {  	p0 =	seq.s32 s10, $0x1;
	s10 =	sld [smem:$0x3FB7];
	_ =	sdelay $0x3  }
0x34: {  	[smem:$0x3FB7] =	sst s10  }
0x35: {  	s10 =	sld [smem:$0x3FB6];
	_ =	sdelay $0x3  }
0x36: {  	p1 =	seq.s32 s10, $0x1;
	s10 =	sld [smem:$0x3FB7];
	_ =	sdelay $0x3  }
0x37: {  	[smem:$0x3FB7] =	sst s10  }
0x38: {  	s10 =	sld [smem:$0x3FB8]  }
0x39: {  	_ = 	snop;
	(pc) =	sbr.ind lr, $3  }
0x3a: {  	_ = 	snop  }
0x3b: {  	_ = 	snop  }
0x3c: {  	p2 =	seq.s32 s10, $0x1;
	s10 =	sld [smem:$0x3FB7]  }
0x3d: {  	_ =	shalt  }
0x3e: {  	_ =	shalt  }
0x3f: {  	_ =	shalt  }
0x40: {  	_ =	shalt  }
0x41: {  	_ =	shalt  }
0x42: {  	_ =	shalt  }
0x43: {  	_ =	shalt  }
0x44: {  	_ =	shalt  }
0x45: {  	_ =	shalt  }
0x46: {  	_ =	shalt  }
0x47: {  	_ =	shalt  }
0x48: {  	_ =	shalt  }
0x49: {  	_ =	shalt  }
0x4a: {  	_ =	shalt  }
0x4b: {  	_ =	shalt  }
0x4c: {  	_ =	shalt  }
0x4d: {  	_ =	shalt  }
0x4e: {  	_ =	shalt  }
0x4f: {  	_ =	shalt  }
0x50: {  	_ =	shalt  }
0x51: {  	_ =	shalt  }
0x52: {  	_ =	shalt  }
0x53: {  	_ =	shalt  }
0x54: {  	_ =	shalt  }
0x55: {  	_ =	shalt  }
0x56: {  	_ =	shalt  }
0x57: {  	_ =	shalt  }
0x58: {  	_ =	shalt  }
0x59: {  	_ =	shalt  }
0x5a: {  	_ =	shalt  }
0x5b: {  	_ =	shalt  }
0x5c: {  	_ =	shalt  }
0x5d: {  	_ =	shalt  }
0x5e: {  	_ =	shalt  }
0x5f: {  	_ =	shalt  }
0x60: {  	_ =	shalt  }
0x61: {  	_ =	shalt  }
0x62: {  	_ =	shalt  }
0x63: {  	_ =	shalt  }
0x64: {  	_ =	shalt  }
0x65: {  	_ =	shalt  }
0x66: {  	_ =	shalt  }
0x67: {  	_ =	shalt  }
0x68: {  	_ =	shalt  }
0x69: {  	_ =	shalt  }
0x6a: {  	_ =	shalt  }
0x6b: {  	_ =	shalt  }
0x6c: {  	_ =	shalt  }
0x6d: {  	_ =	shalt  }
0x6e: {  	_ =	shalt  }
0x6f: {  	_ =	shalt  }
0x70: {  	_ =	shalt  }
0x71: {  	_ =	shalt  }
0x72: {  	_ =	shalt  }
0x73: {  	_ =	shalt  }
0x74: {  	_ =	shalt  }
0x75: {  	_ =	shalt  }
0x76: {  	_ =	shalt  }
0x77: {  	_ =	shalt  }
0x78: {  	_ =	shalt  }
0x79: {  	_ =	shalt  }
0x7a: {  	_ =	shalt  }
0x7b: {  	_ =	shalt  }
0x7c: {  	_ =	shalt  }
0x7d: {  	_ =	shalt  }
0x7e: {  	_ =	shalt  }
0x7f: {  	_ =	shalt  }
0x80: {  	_ =	shalt  }
0x81: {  	_ =	shalt  }
0x82: {  	_ =	shalt  }
0x83: {  	_ =	shalt  }
0x84: {  	_ =	shalt  }
0x85: {  	_ =	shalt  }
0x86: {  	_ =	shalt  }
0x87: {  	_ =	shalt  }
.Lfunc_end0:
.L_simem_size_0:
called_computation.1_lowered:
.L_overlay_start_0:
0x88: {  	s2 =	sld [smem:$0x3FD9]  }
0x89: {  	s3 =	sld [smem:$0x3FFE];
	_ =	sdelay $0x1  }
0x8a: {  	s1 =	srdreg.scid  }
0x8b: {  	s0 =	sand.u32 $0x1, s1  }
0x8c: {  	s17 =	sshll.u32 s0, $0xA;
	s2 =	sadd.s32 s3, s2  }
0x8d: {  	s2 =	sadd.s32 s2, s17  }
0x8e: {  	[smem:$0x3FC3] =	sst s2  }
0x8f: {  	_ = 	snop  }
0x90: {  	s2 =	sld [smem:$0x3FD0];
	(tm) =	ssettm $0x1  }
0x91: {  	s18 =	sld [smem:$0x3FFB];
	_ =	sdelay $0x3  }
0x92: {  	_ =	strace s18  }
0x93: {  	s3 =	sld [smem:$0x3FFC];
	_ =	sdelay $0x3  }
0x94: {  	_ =	strace s3  }
0x95: {  	s3 =	sld [smem:$0x3FFD];
	_ =	sdelay $0x3  }
0x96: {  	_ =	strace s3  }
0x97: {  	_ =	strace $0x8FFFFFFF  }
0x98: {  	s19 =	sld [smem:$0x3FDB];
	_ =	sdelay $0x1  }
0x99: {  	s4 =	simm.s32 $_scs_section_size  }
0x9a: {  	s5 =	simm.s32 $_size__tile_overlayer_lowered;
	s6 =	simm.s32 $_tile_overlayer_lowered  }
0x9b: {  	s22 =	simm.s32 $0x1BFF;
	s21 =	sshll.u32 s6, $0x1;
	s3 =	sadd.s32 s4, s19  }
0x9c: {  	s7 =	simm.s32 $0x0;
	s20 =	sshll.u32 s5, $0x1;
	s5 =	sadd.s32 s21, s3  }
0x9d: {  	[timem:s7], [sflag:s22] =	dma.local [hbm:s5], s20  }
0x9e: {  	_ =	swait.ge [sflag:s22], s20  }
0x9f: {  	s4 =	ssub.s32 $0x0, s20;
	[sflag:s22] =	ssyncset.done $0x0  }
0xa0: {  	[sflag:s22] =	ssyncadd.s32 s4;
	_ =	sdelay $0x1  }
0xa1: {  	s23 =	simm.s32 $0x1B8B  }
0xa2: {  	_ =	swait.ge [sflag:s23], $0x1  }
0xa3: {  	[sflag:s23] =	ssyncset.done $0x0  }
0xa4: {  	s25 =	simm.s32 $0x1B8E;
	s24 =	sld [smem:$0x3FFE];
	[sflag:s23] =	ssyncadd.s32 $0xFFFFFFFF  }
0xa5: {  	s26 =	simm.s32 $execute0_lowered;
	[smem:$0x3FD2] =	sst s25  }
0xa6: {  	s5 =	sshll.u32 s26, $0x1;
	_ =	strace $0x80000049;
	[dreg:$0x1] =	wrdreg $0xFFFFFFFF  }
0xa7: {  	s28 =	simm.s32 $_size_execute0_lowered;
	s3 =	sadd.s32 s3, s5;
	[dreg:$0x0] =	wrdreg $0x0  }
0xa8: {  	s5 =	sshll.u32 s28, $0x1;
	[dreg:$0x2] =	wrdreg s3  }
0xa9: {  	[dreg:$0x3] =	wrdreg s5  }
0xaa: {  	[dreg:$0x4] =	wrdreg $0xC0  }
0xab: {  	_ =	task [dreg:s7], $0x5FFFF  }
0xac: {  	[dreg:$0x1] =	wrdreg $0xFFFFFFFF  }
0xad: {  	[dreg:$0x0] =	wrdreg $0x60  }
0xae: {  	[dreg:$0x2] =	wrdreg s24  }
0xaf: {  	[dreg:$0x3] =	wrdreg s2  }
0xb0: {  	[dreg:$0x4] =	wrdreg $0xC8000  }
0xb1: {  	[dreg:$0x5] =	wrdreg $0x28000  }
0xb2: {  	[dreg:$0x6] =	wrdreg $0x9  }
0xb3: {  	_ =	task.clear_ibuf [dreg:s7], $0x7FFFF;
	_ =	strace $0x90000049  }
0xb4: {  	s29 =	simm.s32 $0x9;
	_ =	strace $0x8000004B  }
0xb5: {  	_ =	swait.ge [sflag:s29], $0x1  }
0xb6: {  	[sflag:s29] =	ssyncadd.s32 $0xFFFFFFFF  }
0xb7: {  	_ =	strace $0x9000004B  }
0xb8: {  	_ =	sfence  }
0xb9: {  	s30 =	sld [smem:$0x0];
	_ =	sdelay $0x2  }
0xba: {  	s31 =	sshll.u32 s1, $0xD;
	s1 =	sshrl.u32 s1, $0x2  }
0xbb: {  	s3 =	sand.u32 $0x4000, s31;
	s1 =	sadd.s32 s1, s30  }
0xbc: {  	s0 =	sor.u32 s3, s0;
	s1 =	sshll.u32 s1, $0x11  }
0xbd: {  	s0 =	sor.u32 s1, s0  }
0xbe: {  	s0 =	sadd.s32 $0x8F2B, s0  }
0xbf: {  	[sflag:s0] =	ssyncadd.remote.s32 $0x1  }
0xc0: {  	_ =	sfence.sel $0xFFFF  }
0xc1: {  	[dreg:$0x0] =	wrdreg $0xFFFFFFFF;
	(pc) =	sbr.abs _section_cstart, $3  }
0xc2: {  	[dreg:$0x1] =	wrdreg $0xFFFFFFFF  }
0xc3: {  	_ =	task.clear_ibuf [dreg:s7], $0x2FFFF;
	_ =	strace $0x9FFFFFFF  }
0xc4: {  	(tm) =	ssettm $0x7FFFFFFF  }
0xc5: {  	_ =	shalt  }
tec
execute0_lowered:
.L_overlay_start_1:
0x0: {  	(tag) =	ssettag $0x1  }
0x1: {  	s0 =	rddreg [dreg:$0x0]  }
0x2: {  	s1 =	rddreg [dreg:$0x1]  }
0x3: {  	s2 =	rddreg [dreg:$0x2]  }
0x4: {  	s3 =	rddreg [dreg:$0x3];
	s10 =	stileid.u32;
	s5 =	simm.s32 $0x0  }
0x5: {  	s19 =	srdreg.scid;
	s28 =	simm.s32 $0x18800;
	s29 =	simm.s32 $0x1  }
0x6: {  	s31 =	simm.s32 $0x1A800;
	s4 =	smul.u32 $0x14000, s10;
	[smem:$0x7FF] =	sst s5  }
0x7: {  	s5 =	sand.u32 $0x1, s19;
	s12 =	sadd.s32 $0xBA00, s0;
	s21 =	sshll.u32 s10, $0x6  }
0x8: {  	_ =	strace $0x8000004A;
	s7 =	ssub.s32 $0x2, s5;
	s9 =	sshll.u32 s5, $0x4  }
0x9: {  	s5 =	smul.u32 $0x140000, s5;
	s6 =	sshrl.u32 s4, $0x4;
	s8 =	sshrl.u32 s7, $0x1  }
0xa: {  	s11 =	sor.u32 s10, s9;
	s20 =	sshrl.u32 s4, $0x1;
	s15 =	sadd.s32 $0x4000, s4  }
0xb: {  	s16 =	sadd.s32 $0x8000, s4;
	s17 =	sadd.s32 $0xC000, s4;
	s18 =	sadd.s32 $0x10000, s4  }
0xc: {  	s6 =	sadd.s32 s6, s0;
	s0 =	sadd.s32 $0x1000, s0;
	s13 =	ssub.s32 s7, s8  }
0xd: {  	s14 =	sadd.s32 s20, s2;
	s7 =	sadd.s32 s20, s3;
	s22 =	sshrl.u32 s15, $0x1  }
0xe: {  	s23 =	sshrl.u32 s16, $0x1;
	s24 =	sshrl.u32 s17, $0x1;
	s19 =	smul.u32 $0x2800, s11  }
0xf: {  	s20 =	sshrl.u32 s18, $0x1;
	s4 =	sadd.s32 s4, s5;
	s30 =	sadd.s32 s5, s15  }
0x10: {  	s6 =	sadd.s32 $0x15A00, s6;
	s8 =	sadd.s32 s22, s3;
	s9 =	sadd.s32 s23, s3  }
0x11: {  	s10 =	sadd.s32 s24, s3;
	s15 =	sshrl.u32 s4, $0x4;
	s22 =	sadd.s32 s5, s17  }
0x12: {  	s17 =	simm.s32 $0x1580;
	[dreg:$0x5] =	wrdreg s6;
	s6 =	sor.u32 $0x1C09, s21  }
0x13: {  	s21 =	smul.u32 $0x500, s11;
	s11 =	sadd.s32 s20, s3;
	s19 =	sshrl.u32 s19, $0x3  }
0x14: {  	s23 =	sshrl.u32 s22, $0x4;
	s22 =	simm.s32 $0x0;
	s19 =	sadd.s32 $0x280, s19  }
0x15: {  	s25 =	sadd.s32 s12, s21;
	s26 =	sadd.s32 s0, s21;
	s12 =	sadd.s32 s12, s19  }
0x16: {  	s0 =	sadd.s32 s0, s19;
	s19 =	sshrl.u32 s30, $0x4;
	[dreg:$0x6] =	wrdreg s25  }
0x17: {  	s21 =	sadd.s32 s5, s16;
	s5 =	sadd.s32 s5, s18;
	[dreg:$0x7] =	wrdreg s26  }
0x18: {  	s30 =	sshrl.u32 s14, $0x3;
	s14 =	simm.s32 $0x5;
	[dreg:$0x8] =	wrdreg s12  }
0x19: {  	s16 =	simm.s32 $0x4;
	s18 =	simm.s32 $0x6;
	[dreg:$0x9] =	wrdreg s0  }
0x1a: {  	s0 =	sadd.s32 s1, s15;
	s20 =	sadd.s32 s1, s19;
	s24 =	sshrl.u32 s5, $0x4  }
0x1b: {  	s26 =	smax.u32 s13, $0x1;
	[dreg:$0x10] =	wrdreg s30;
	s5 =	simm.s32 $0x1C800  }
0x1c: {  	s12 =	simm.s32 $0x3;
	s15 =	simm.s32 $0x200;
	[dreg:$0xa] =	wrdreg s0  }
0x1d: {  	s19 =	simm.s32 $0x280;
	[dreg:$0xb] =	wrdreg s20;
	s0 =	sshrl.u32 s21, $0x4  }
.Ltmp0:
0x1e: {  	s25 =	sadd.s32 s1, s24;
	[dreg:$0xf] =	wrdreg s26;
	(pc) =	sbr.rel .LBB2_1-.Ltmp0, $4  }
0x1f: {  	s24 =	simm.s32 $0x16800;
	s26 =	simm.s32 $0x80;
	s20 =	simm.s32 $0x7  }
0x20: {  	s21 =	simm.s32 $0x8;
	s0 =	sadd.s32 s1, s0;
	[dreg:$0xe] =	wrdreg s25  }
0x21: {  	s25 =	simm.s32 $0x1400;
	[dreg:$0xc] =	wrdreg s0;
	s0 =	sadd.s32 s1, s23  }
0x22: {  	v0 =	vimm.bf16 $0.0e+00;
	s23 =	simm.s32 $0x9;
	[dreg:$0xd] =	wrdreg s0;
	s0 =	simm.s32 $0x2  }
.LBB2_9:
0x23: {  	_ =	swait.ge [sflag:s16], $0x2000  }
0x24: {  	[sflag:s16] =	ssyncset.done $0x0  }
0x25: {  	[sflag:s16] =	ssyncadd.s32 $0xFFFFE000  }
0x26: {  	[spmem:s3] =	stream.indirect.scatter.add.bf16 [tilespmem:s5], [sflag:$0x8], $0x40, s4, s26, $0xb8;
	[tilespmem:$0x1E800] =	vst v63  }
0x27: {  	_ =	swait.ge [sflag:s14], $0x2000  }
0x28: {  	[sflag:s14] =	ssyncset.done $0x0  }
0x29: {  	[sflag:s14] =	ssyncadd.s32 $0xFFFFE000  }
0x2a: {  	_ =	swait.ge [sflag:s18], $0x2000  }
0x2b: {  	[sflag:s18] =	ssyncset.done $0x0  }
0x2c: {  	[sflag:s18] =	ssyncadd.s32 $0xFFFFE000  }
0x2d: {  	_ =	swait.ge [sflag:s20], $0x2000  }
0x2e: {  	[sflag:s20] =	ssyncset.done $0x0  }
0x2f: {  	[sflag:s20] =	ssyncadd.s32 $0xFFFFE000  }
0x30: {  	_ =	swait.ge [sflag:s21], $0x2000  }
0x31: {  	[sflag:s21] =	ssyncset.done $0x0  }
0x32: {  	[sflag:s21] =	ssyncadd.s32 $0xFFFFE000  }
0x33: {  	[bflag:$0x0] =	sbarrier.arrive $0xFFFF  }
0x34: {  	s1 =	sshrl.u32 s7, $0x3;
	s30 =	rddreg [dreg:$0xa]  }
0x35: {  	[hbm:s30], [sflag:s6] =	dma.local [spmem:s1], $0x400  }
0x36: {  	_ =	swait.ge [sflag:s23], $0x400  }
0x37: {  	[sflag:s23] =	ssyncset.done $0x0  }
0x38: {  	s13 =	sshrl.u32 s8, $0x3;
	s30 =	rddreg [dreg:$0xb];
	[sflag:s23] =	ssyncadd.s32 $0xFFFFFC00  }
0x39: {  	[hbm:s30], [sflag:s6] =	dma.local [spmem:s13], $0x400  }
0x3a: {  	_ =	swait.ge [sflag:s23], $0x400  }
0x3b: {  	[sflag:s23] =	ssyncset.done $0x0  }
0x3c: {  	s13 =	sshrl.u32 s9, $0x3;
	s30 =	rddreg [dreg:$0xc];
	[sflag:s23] =	ssyncadd.s32 $0xFFFFFC00  }
0x3d: {  	[hbm:s30], [sflag:s6] =	dma.local [spmem:s13], $0x400  }
0x3e: {  	_ =	swait.ge [sflag:s23], $0x400  }
0x3f: {  	[sflag:s23] =	ssyncset.done $0x0  }
0x40: {  	s13 =	sshrl.u32 s10, $0x3;
	s30 =	rddreg [dreg:$0xd];
	[sflag:s23] =	ssyncadd.s32 $0xFFFFFC00  }
0x41: {  	[hbm:s30], [sflag:s6] =	dma.local [spmem:s13], $0x400  }
0x42: {  	_ =	swait.ge [sflag:s23], $0x400  }
0x43: {  	[sflag:s23] =	ssyncset.done $0x0  }
0x44: {  	s4 =	sshrl.u32 s11, $0x3;
	s13 =	rddreg [dreg:$0xe];
	[sflag:s23] =	ssyncadd.s32 $0xFFFFFC00  }
0x45: {  	[hbm:s13], [sflag:s6] =	dma.local [spmem:s4], $0x400  }
0x46: {  	_ =	swait.ge [sflag:s23], $0x400  }
0x47: {  	s22 =	sadd.s32 $0x1, s22;
	s30 =	rddreg [dreg:$0xf]  }
0x48: {  	p0 =	sne.s32 s22, s30  }
.Ltmp1:
0x49: {  	_ = 	snop;
	(pc) =	sbr.rel @!p0 .LBB2_10-.Ltmp1, $3  }
0x4a: {  	_ =	sdelay $0x1  }
0x4b: {  	[sflag:s23] =	ssyncset.done $0x0  }
0x4c: {  	[sflag:s23] =	ssyncadd.s32 $0xFFFFFC00  }
.LBB2_1:
0x4d: {  	s1 =	rddreg [dreg:$0x5]  }
0x4e: {  	s4 =	rddreg [dreg:$0x10]  }
0x4f: {  	[spmem:s4], [sflag:s6] =	dma.local [hbm:s1], $0x1400  }
0x50: {  	s1 =	simm.s32 $0x0  }
0x51: {  	_ =	swait.ge [sflag:s23], $0x1400;
	s13 =	sand.u32 $0x7F00, s1;
	s4 =	sand.u32 $0x60, s1  }
0x52: {  	[sflag:s23] =	ssyncset.done $0x0;
	s1 =	sshrl.u32 s13, $0x2;
	s4 =	sshrl.u32 s4, $0x1  }
0x53: {  	[sflag:s23] =	ssyncadd.s32 $0xFFFFEC00;
	s4 =	sor.u32 s4, s1  }
0x54: {  	s30 =	simm.s32 $0x0;
	s1 =	simm.s32 $0x40;
	[tilespmem:s4+$0x16800] =	vst v0  }
.LBB2_2:
0x55: {  	p0 =	sne.s32 s1, $0x7FC0  }
.Ltmp2:
0x56: {  	s4 =	sand.u32 $0x7F00, s1;
	s30 =	sadd.s32 $0x20, s30;
	(pc) =	sbr.rel @p0 .LBB2_2-.Ltmp2, $4  }
0x57: {  	s1 =	sadd.s32 $0x40, s1;
	s13 =	sand.u32 $0x60, s30  }
0x58: {  	s4 =	sshrl.u32 s4, $0x2;
	s13 =	sshrl.u32 s13, $0x1  }
0x59: {  	s4 =	sor.u32 s13, s4  }
0x5a: {  	[tilespmem:s4+$0x16800] =	vst v0  }
0x5b: {  	[spmem:s7] =	stream.linear.scatter [tilespmem:s24], [sflag:$0x9], $0x2000, $0x38;
	[tilespmem:$0x1E800] =	vst v63  }
0x5c: {  	_ =	swait.ge [sflag:s23], $0x2000  }
0x5d: {  	[sflag:s23] =	ssyncset.done $0x0  }
0x5e: {  	[sflag:s23] =	ssyncadd.s32 $0xFFFFE000  }
0x5f: {  	[spmem:s8] =	stream.linear.scatter [tilespmem:s24], [sflag:$0x9], $0x2000, $0x38;
	[tilespmem:$0x1E800] =	vst v63  }
0x60: {  	_ =	swait.ge [sflag:s23], $0x2000  }
0x61: {  	[sflag:s23] =	ssyncset.done $0x0  }
0x62: {  	[sflag:s23] =	ssyncadd.s32 $0xFFFFE000  }
0x63: {  	[spmem:s9] =	stream.linear.scatter [tilespmem:s24], [sflag:$0x9], $0x2000, $0x38;
	[tilespmem:$0x1E800] =	vst v63  }
0x64: {  	_ =	swait.ge [sflag:s23], $0x2000  }
0x65: {  	[sflag:s23] =	ssyncset.done $0x0  }
0x66: {  	[sflag:s23] =	ssyncadd.s32 $0xFFFFE000  }
0x67: {  	[spmem:s10] =	stream.linear.scatter [tilespmem:s24], [sflag:$0x9], $0x2000, $0x38;
	[tilespmem:$0x1E800] =	vst v63  }
0x68: {  	_ =	swait.ge [sflag:s23], $0x2000  }
0x69: {  	[sflag:s23] =	ssyncset.done $0x0  }
0x6a: {  	[sflag:s23] =	ssyncadd.s32 $0xFFFFE000  }
0x6b: {  	[spmem:s11] =	stream.linear.scatter [tilespmem:s24], [sflag:$0x9], $0x2000, $0x38;
	[tilespmem:$0x1E800] =	vst v63  }
0x6c: {  	_ =	swait.ge [sflag:s23], $0x2000  }
0x6d: {  	[sflag:s23] =	ssyncset.done $0x0  }
0x6e: {  	[sflag:s23] =	ssyncadd.s32 $0xFFFFE000  }
0x6f: {  	[bflag:$0x0] =	sbarrier.arrive $0xFFFF  }
0x70: {  	s30 =	simm.s32 $0x0;
	s1 =	rddreg [dreg:$0x6]  }
0x71: {  	[tilespmem:s30], [sflag:$0x9] =	stream.linear.gather [hbm4b:s1+s30], $0x1400, $0x38;
	[tilespmem:$0x1E800] =	vst v63  }
0x72: {  	_ =	swait.ge [sflag:s23], $0x1400  }
0x73: {  	[sflag:s23] =	ssyncset.done $0x0  }
0x74: {  	s13 =	rddreg [dreg:$0x7];
	[sflag:s23] =	ssyncadd.s32 $0xFFFFEC00  }
0x75: {  	[tilespmem:s25], [sflag:$0x9] =	stream.linear.gather [hbm4b:s13+s30], $0x1400, $0x38;
	[tilespmem:$0x1E800] =	vst v63  }
0x76: {  	_ =	swait.ge [sflag:s23], $0x1400  }
0x77: {  	[sflag:s23] =	ssyncset.done $0x0  }
0x78: {  	[sflag:s23] =	ssyncadd.s32 $0xFFFFEC00  }
0x79: {  	[tilespmem:s24], [sflag:$0x1] =	stream.indirect.gather [spmem:s2], $0x40, s30, s26, $0xb8;
	[tilespmem:$0x1E800] =	vst v63  }
0x7a: {  	_ = 	snop  }
0x7b: {  	[tilespmem:s28], [sflag:$0x2] =	stream.indirect.gather [spmem:s2], $0x40, s26, s26, $0xb8;
	[tilespmem:$0x1E800] =	vst v63  }
0x7c: {  	_ =	swait.ge [sflag:s29], $0x2000  }
0x7d: {  	[sflag:s29] =	ssyncset.done $0x0  }
0x7e: {  	[sflag:s29] =	ssyncadd.s32 $0xFFFFE000  }
0x7f: {  	[spmem:s3] =	stream.indirect.scatter.add.bf16 [tilespmem:s24], [sflag:$0x5], $0x40, s25, s26, $0xb8;
	[tilespmem:$0x1E800] =	vst v63  }
0x80: {  	s4 =	simm.s32 $0x100  }
0x81: {  	[tilespmem:s31], [sflag:$0x3] =	stream.indirect.gather [spmem:s2], $0x40, s4, s26, $0xb8;
	[tilespmem:$0x1E800] =	vst v63  }
0x82: {  	_ =	swait.ge [sflag:s0], $0x2000  }
0x83: {  	[sflag:s0] =	ssyncset.done $0x0  }
0x84: {  	s13 =	simm.s32 $0x1480;
	[sflag:s0] =	ssyncadd.s32 $0xFFFFE000  }
0x85: {  	[spmem:s3] =	stream.indirect.scatter.add.bf16 [tilespmem:s28], [sflag:$0x6], $0x40, s13, s26, $0xb8;
	[tilespmem:$0x1E800] =	vst v63  }
0x86: {  	s4 =	simm.s32 $0x180  }
0x87: {  	[tilespmem:s5], [sflag:$0x4] =	stream.indirect.gather [spmem:s2], $0x40, s4, s26, $0xb8;
	[tilespmem:$0x1E800] =	vst v63  }
0x88: {  	_ =	swait.ge [sflag:s12], $0x2000  }
0x89: {  	[sflag:s12] =	ssyncset.done $0x0  }
0x8a: {  	s13 =	simm.s32 $0x1500;
	[sflag:s12] =	ssyncadd.s32 $0xFFFFE000  }
0x8b: {  	[spmem:s3] =	stream.indirect.scatter.add.bf16 [tilespmem:s31], [sflag:$0x7], $0x40, s13, s26, $0xb8;
	[tilespmem:$0x1E800] =	vst v63  }
0x8c: {  	_ =	swait.ge [sflag:s14], $0x2000  }
0x8d: {  	[sflag:s14] =	ssyncset.done $0x0  }
0x8e: {  	[sflag:s14] =	ssyncadd.s32 $0xFFFFE000  }
0x8f: {  	[tilespmem:s24], [sflag:$0x1] =	stream.indirect.gather [spmem:s2], $0x40, s15, s26, $0xb8;
	[tilespmem:$0x1E800] =	vst v63  }
0x90: {  	_ =	swait.ge [sflag:s16], $0x2000  }
0x91: {  	[sflag:s16] =	ssyncset.done $0x0  }
0x92: {  	[sflag:s16] =	ssyncadd.s32 $0xFFFFE000  }
0x93: {  	[spmem:s3] =	stream.indirect.scatter.add.bf16 [tilespmem:s5], [sflag:$0x8], $0x40, s17, s26, $0xb8;
	[tilespmem:$0x1E800] =	vst v63  }
0x94: {  	_ =	swait.ge [sflag:s18], $0x2000  }
0x95: {  	[sflag:s18] =	ssyncset.done $0x0  }
0x96: {  	[sflag:s18] =	ssyncadd.s32 $0xFFFFE000  }
0x97: {  	[tilespmem:s28], [sflag:$0x2] =	stream.indirect.gather [spmem:s2], $0x40, s19, s26, $0xb8;
	[tilespmem:$0x1E800] =	vst v63  }
.LBB2_4:
0x98: {  	_ =	swait.ge [sflag:s29], $0x2000  }
0x99: {  	s1 =	sshra.s32 s30, $0x2;
	[sflag:s29] =	ssyncset.done $0x0  }
0x9a: {  	s4 =	sadd.s32 $0x1600, s1;
	[sflag:s29] =	ssyncadd.s32 $0xFFFFE000  }
0x9b: {  	[spmem:s3] =	stream.indirect.scatter.add.bf16 [tilespmem:s24], [sflag:$0x5], $0x40, s4, s26, $0xb8;
	[tilespmem:$0x1E800] =	vst v63  }
0x9c: {  	_ =	swait.ge [sflag:s20], $0x2000  }
0x9d: {  	[sflag:s20] =	ssyncset.done $0x0  }
0x9e: {  	s13 =	sadd.s32 $0x300, s1;
	[sflag:s20] =	ssyncadd.s32 $0xFFFFE000  }
0x9f: {  	[tilespmem:s31], [sflag:$0x3] =	stream.indirect.gather [spmem:s2], $0x40, s13, s26, $0xb8;
	[tilespmem:$0x1E800] =	vst v63  }
0xa0: {  	_ =	swait.ge [sflag:s0], $0x2000  }
0xa1: {  	[sflag:s0] =	ssyncset.done $0x0  }
0xa2: {  	s13 =	sadd.s32 $0x1680, s1;
	[sflag:s0] =	ssyncadd.s32 $0xFFFFE000  }
0xa3: {  	[spmem:s3] =	stream.indirect.scatter.add.bf16 [tilespmem:s28], [sflag:$0x6], $0x40, s13, s26, $0xb8;
	[tilespmem:$0x1E800] =	vst v63  }
0xa4: {  	_ =	swait.ge [sflag:s21], $0x2000  }
0xa5: {  	[sflag:s21] =	ssyncset.done $0x0  }
0xa6: {  	p0 =	seq.s32 s30, $0x4000;
	s13 =	sadd.s32 $0x380, s1;
	[sflag:s21] =	ssyncadd.s32 $0xFFFFE000  }
0xa7: {  	[tilespmem:s5], [sflag:$0x4] =	stream.indirect.gather [spmem:s2], $0x40, s13, s26, $0xb8;
	[tilespmem:$0x1E800] =	vst v63  }
.Ltmp3:
0xa8: {  	_ = 	snop;
	(pc) =	sbr.rel @p0 .LBB2_6-.Ltmp3, $4  }
0xa9: {  	_ =	swait.ge [sflag:s12], $0x2000  }
0xaa: {  	[sflag:s12] =	ssyncset.done $0x0  }
0xab: {  	s4 =	sadd.s32 $0x1780, s1;
	s13 =	sadd.s32 $0x1700, s1;
	[sflag:s12] =	ssyncadd.s32 $0xFFFFE000  }
0xac: {  	[spmem:s3] =	stream.indirect.scatter.add.bf16 [tilespmem:s31], [sflag:$0x7], $0x40, s13, s26, $0xb8;
	[tilespmem:$0x1E800] =	vst v63  }
0xad: {  	_ =	swait.ge [sflag:s14], $0x2000  }
0xae: {  	[sflag:s14] =	ssyncset.done $0x0  }
0xaf: {  	s13 =	sadd.s32 $0x400, s1;
	[sflag:s14] =	ssyncadd.s32 $0xFFFFE000  }
0xb0: {  	[tilespmem:s24], [sflag:$0x1] =	stream.indirect.gather [spmem:s2], $0x40, s13, s26, $0xb8;
	[tilespmem:$0x1E800] =	vst v63  }
0xb1: {  	_ =	swait.ge [sflag:s16], $0x2000  }
0xb2: {  	[sflag:s16] =	ssyncset.done $0x0  }
0xb3: {  	[sflag:s16] =	ssyncadd.s32 $0xFFFFE000  }
0xb4: {  	[spmem:s3] =	stream.indirect.scatter.add.bf16 [tilespmem:s5], [sflag:$0x8], $0x40, s4, s26, $0xb8;
	[tilespmem:$0x1E800] =	vst v63  }
.Ltmp4:
0xb5: {  	_ = 	snop;
	(pc) =	sbr.rel .LBB2_4-.Ltmp4, $4  }
0xb6: {  	_ =	swait.ge [sflag:s18], $0x2000  }
0xb7: {  	[sflag:s18] =	ssyncset.done $0x0  }
0xb8: {  	s30 =	sadd.s32 $0x800, s30;
	s13 =	sadd.s32 $0x480, s1;
	[sflag:s18] =	ssyncadd.s32 $0xFFFFE000  }
0xb9: {  	[tilespmem:s28], [sflag:$0x2] =	stream.indirect.gather [spmem:s2], $0x40, s13, s26, $0xb8;
	[tilespmem:$0x1E800] =	vst v63  }
.LBB2_6:
0xba: {  	_ =	swait.ge [sflag:s16], $0x2000  }
0xbb: {  	[sflag:s16] =	ssyncset.done $0x0  }
0xbc: {  	[sflag:s16] =	ssyncadd.s32 $0xFFFFE000  }
0xbd: {  	[spmem:s3] =	stream.indirect.scatter.add.bf16 [tilespmem:s5], [sflag:$0x8], $0x40, s4, s26, $0xb8;
	[tilespmem:$0x1E800] =	vst v63  }
0xbe: {  	_ =	swait.ge [sflag:s14], $0x2000  }
0xbf: {  	[sflag:s14] =	ssyncset.done $0x0  }
0xc0: {  	[sflag:s14] =	ssyncadd.s32 $0xFFFFE000  }
0xc1: {  	_ =	swait.ge [sflag:s18], $0x2000  }
0xc2: {  	[sflag:s18] =	ssyncset.done $0x0  }
0xc3: {  	[sflag:s18] =	ssyncadd.s32 $0xFFFFE000  }
0xc4: {  	_ =	swait.ge [sflag:s20], $0x2000  }
0xc5: {  	[sflag:s20] =	ssyncset.done $0x0  }
0xc6: {  	[sflag:s20] =	ssyncadd.s32 $0xFFFFE000  }
0xc7: {  	_ =	swait.ge [sflag:s21], $0x2000  }
0xc8: {  	[sflag:s21] =	ssyncset.done $0x0  }
0xc9: {  	s30 =	simm.s32 $0x0;
	s1 =	rddreg [dreg:$0x8];
	[sflag:s21] =	ssyncadd.s32 $0xFFFFE000  }
0xca: {  	[tilespmem:s30], [sflag:$0x9] =	stream.linear.gather [hbm4b:s1+s30], $0x1400, $0x38;
	[tilespmem:$0x1E800] =	vst v63  }
0xcb: {  	_ =	swait.ge [sflag:s23], $0x1400  }
0xcc: {  	[sflag:s23] =	ssyncset.done $0x0  }
0xcd: {  	s13 =	rddreg [dreg:$0x9];
	[sflag:s23] =	ssyncadd.s32 $0xFFFFEC00  }
0xce: {  	[tilespmem:s25], [sflag:$0x9] =	stream.linear.gather [hbm4b:s13+s30], $0x1400, $0x38;
	[tilespmem:$0x1E800] =	vst v63  }
0xcf: {  	_ =	swait.ge [sflag:s23], $0x1400  }
0xd0: {  	[sflag:s23] =	ssyncset.done $0x0  }
0xd1: {  	[sflag:s23] =	ssyncadd.s32 $0xFFFFEC00  }
0xd2: {  	[tilespmem:s24], [sflag:$0x1] =	stream.indirect.gather [spmem:s2], $0x40, s30, s26, $0xb8;
	[tilespmem:$0x1E800] =	vst v63  }
0xd3: {  	_ = 	snop  }
0xd4: {  	[tilespmem:s28], [sflag:$0x2] =	stream.indirect.gather [spmem:s2], $0x40, s26, s26, $0xb8;
	[tilespmem:$0x1E800] =	vst v63  }
0xd5: {  	_ =	swait.ge [sflag:s29], $0x2000  }
0xd6: {  	[sflag:s29] =	ssyncset.done $0x0  }
0xd7: {  	[sflag:s29] =	ssyncadd.s32 $0xFFFFE000  }
0xd8: {  	[spmem:s3] =	stream.indirect.scatter.add.bf16 [tilespmem:s24], [sflag:$0x5], $0x40, s25, s26, $0xb8;
	[tilespmem:$0x1E800] =	vst v63  }
0xd9: {  	s4 =	simm.s32 $0x100  }
0xda: {  	[tilespmem:s31], [sflag:$0x3] =	stream.indirect.gather [spmem:s2], $0x40, s4, s26, $0xb8;
	[tilespmem:$0x1E800] =	vst v63  }
0xdb: {  	_ =	swait.ge [sflag:s0], $0x2000  }
0xdc: {  	[sflag:s0] =	ssyncset.done $0x0  }
0xdd: {  	s13 =	simm.s32 $0x1480;
	[sflag:s0] =	ssyncadd.s32 $0xFFFFE000  }
0xde: {  	[spmem:s3] =	stream.indirect.scatter.add.bf16 [tilespmem:s28], [sflag:$0x6], $0x40, s13, s26, $0xb8;
	[tilespmem:$0x1E800] =	vst v63  }
0xdf: {  	s4 =	simm.s32 $0x180  }
0xe0: {  	[tilespmem:s5], [sflag:$0x4] =	stream.indirect.gather [spmem:s2], $0x40, s4, s26, $0xb8;
	[tilespmem:$0x1E800] =	vst v63  }
0xe1: {  	_ =	swait.ge [sflag:s12], $0x2000  }
0xe2: {  	[sflag:s12] =	ssyncset.done $0x0  }
0xe3: {  	s13 =	simm.s32 $0x1500;
	[sflag:s12] =	ssyncadd.s32 $0xFFFFE000  }
0xe4: {  	[spmem:s3] =	stream.indirect.scatter.add.bf16 [tilespmem:s31], [sflag:$0x7], $0x40, s13, s26, $0xb8;
	[tilespmem:$0x1E800] =	vst v63  }
0xe5: {  	_ =	swait.ge [sflag:s14], $0x2000  }
0xe6: {  	[sflag:s14] =	ssyncset.done $0x0  }
0xe7: {  	[sflag:s14] =	ssyncadd.s32 $0xFFFFE000  }
0xe8: {  	[tilespmem:s24], [sflag:$0x1] =	stream.indirect.gather [spmem:s2], $0x40, s15, s26, $0xb8;
	[tilespmem:$0x1E800] =	vst v63  }
0xe9: {  	_ =	swait.ge [sflag:s16], $0x2000  }
0xea: {  	[sflag:s16] =	ssyncset.done $0x0  }
0xeb: {  	[sflag:s16] =	ssyncadd.s32 $0xFFFFE000  }
0xec: {  	[spmem:s3] =	stream.indirect.scatter.add.bf16 [tilespmem:s5], [sflag:$0x8], $0x40, s17, s26, $0xb8;
	[tilespmem:$0x1E800] =	vst v63  }
0xed: {  	_ =	swait.ge [sflag:s18], $0x2000  }
0xee: {  	[sflag:s18] =	ssyncset.done $0x0  }
0xef: {  	[sflag:s18] =	ssyncadd.s32 $0xFFFFE000  }
0xf0: {  	[tilespmem:s28], [sflag:$0x2] =	stream.indirect.gather [spmem:s2], $0x40, s19, s26, $0xb8;
	[tilespmem:$0x1E800] =	vst v63  }
.LBB2_7:
0xf1: {  	_ =	swait.ge [sflag:s29], $0x2000  }
0xf2: {  	s1 =	sshra.s32 s30, $0x2;
	[sflag:s29] =	ssyncset.done $0x0  }
0xf3: {  	s4 =	sadd.s32 $0x1600, s1;
	[sflag:s29] =	ssyncadd.s32 $0xFFFFE000  }
0xf4: {  	[spmem:s3] =	stream.indirect.scatter.add.bf16 [tilespmem:s24], [sflag:$0x5], $0x40, s4, s26, $0xb8;
	[tilespmem:$0x1E800] =	vst v63  }
0xf5: {  	_ =	swait.ge [sflag:s20], $0x2000  }
0xf6: {  	[sflag:s20] =	ssyncset.done $0x0  }
0xf7: {  	s13 =	sadd.s32 $0x300, s1;
	[sflag:s20] =	ssyncadd.s32 $0xFFFFE000  }
0xf8: {  	[tilespmem:s31], [sflag:$0x3] =	stream.indirect.gather [spmem:s2], $0x40, s13, s26, $0xb8;
	[tilespmem:$0x1E800] =	vst v63  }
0xf9: {  	_ =	swait.ge [sflag:s0], $0x2000  }
0xfa: {  	[sflag:s0] =	ssyncset.done $0x0  }
0xfb: {  	s13 =	sadd.s32 $0x1680, s1;
	[sflag:s0] =	ssyncadd.s32 $0xFFFFE000  }
0xfc: {  	[spmem:s3] =	stream.indirect.scatter.add.bf16 [tilespmem:s28], [sflag:$0x6], $0x40, s13, s26, $0xb8;
	[tilespmem:$0x1E800] =	vst v63  }
0xfd: {  	_ =	swait.ge [sflag:s21], $0x2000  }
0xfe: {  	[sflag:s21] =	ssyncset.done $0x0  }
0xff: {  	p0 =	seq.s32 s30, $0x4000;
	s13 =	sadd.s32 $0x380, s1;
	[sflag:s21] =	ssyncadd.s32 $0xFFFFE000  }
0x100: {  	[tilespmem:s5], [sflag:$0x4] =	stream.indirect.gather [spmem:s2], $0x40, s13, s26, $0xb8;
	[tilespmem:$0x1E800] =	vst v63  }
.Ltmp5:
0x101: {  	_ = 	snop;
	(pc) =	sbr.rel @p0 .LBB2_9-.Ltmp5, $4  }
0x102: {  	_ =	swait.ge [sflag:s12], $0x2000  }
0x103: {  	[sflag:s12] =	ssyncset.done $0x0  }
0x104: {  	s4 =	sadd.s32 $0x1780, s1;
	s13 =	sadd.s32 $0x1700, s1;
	[sflag:s12] =	ssyncadd.s32 $0xFFFFE000  }
0x105: {  	[spmem:s3] =	stream.indirect.scatter.add.bf16 [tilespmem:s31], [sflag:$0x7], $0x40, s13, s26, $0xb8;
	[tilespmem:$0x1E800] =	vst v63  }
0x106: {  	_ =	swait.ge [sflag:s14], $0x2000  }
0x107: {  	[sflag:s14] =	ssyncset.done $0x0  }
0x108: {  	s13 =	sadd.s32 $0x400, s1;
	[sflag:s14] =	ssyncadd.s32 $0xFFFFE000  }
0x109: {  	[tilespmem:s24], [sflag:$0x1] =	stream.indirect.gather [spmem:s2], $0x40, s13, s26, $0xb8;
	[tilespmem:$0x1E800] =	vst v63  }
0x10a: {  	_ =	swait.ge [sflag:s16], $0x2000  }
0x10b: {  	[sflag:s16] =	ssyncset.done $0x0  }
0x10c: {  	[sflag:s16] =	ssyncadd.s32 $0xFFFFE000  }
0x10d: {  	[spmem:s3] =	stream.indirect.scatter.add.bf16 [tilespmem:s5], [sflag:$0x8], $0x40, s4, s26, $0xb8;
	[tilespmem:$0x1E800] =	vst v63  }
.Ltmp6:
0x10e: {  	_ = 	snop;
	(pc) =	sbr.rel .LBB2_7-.Ltmp6, $4  }
0x10f: {  	_ =	swait.ge [sflag:s18], $0x2000  }
0x110: {  	[sflag:s18] =	ssyncset.done $0x0  }
0x111: {  	s30 =	sadd.s32 $0x800, s30;
	s13 =	sadd.s32 $0x480, s1;
	[sflag:s18] =	ssyncadd.s32 $0xFFFFE000  }
0x112: {  	[tilespmem:s28], [sflag:$0x2] =	stream.indirect.gather [spmem:s2], $0x40, s13, s26, $0xb8;
	[tilespmem:$0x1E800] =	vst v63  }
.LBB2_10:
0x113: {  	_ =	sfence.sel $0x180000  }
0x114: {  	[bflag:$0x0] =	sbarrier.arrive $0xFFFF  }
0x115: {  	_ =	strace $0x9000004A  }
0x116: {  	s0 =	stileid.u32;
	[bflag:$0x2] =	sbarrier.arrive $0xFFFF  }
0x117: {  	p0 =	sne.s32 s0, $0x0;
	s0 =	rddreg [dreg:$0x4]  }
0x118: {  	s0 =	sadd.s32 @!p0 $0x100000, s0  }
0x119: {  	[sflag:s0] =	ssyncadd.tile.s32 @!p0 $0x1;
	_ =	shalt  }
.Lfunc_end2:
_tile_overlayer_lowered:
.L_overlay_start_2:
0x11a: {  	(tag) =	ssettag $0x2  }
0x11b: {  	s0 =	rddreg [dreg:$0x0];
	s2 =	stileid.u32  }
0x11c: {  	s1 =	rddreg [dreg:$0x1];
	p0 =	sne.s32 s2, $0x0  }
0x11d: {  	s3 =	rddreg [dreg:$0x2];
	[bflag:$0x3] =	sbarrier.arrive $0xFFFF;
	s2 =	simm.s32 @!p0 $0x1C09  }
0x11e: {  	[timem:s3], [sflag:s2] =	dma.local @!p0 [hbm:s0], s1  }
0x11f: {  	s0 =	simm.s32 @!p0 $0x9  }
0x120: {  	_ =	swait.ge @!p0 [sflag:s0], s1  }
0x121: {  	s1 =	ssub.s32 @!p0 $0x0, s1;
	[sflag:s0] =	ssyncset.done @!p0 $0x0  }
0x122: {  	[sflag:s0] =	ssyncadd.s32 @!p0 s1  }
0x123: {  	[bflag:$0x3] =	sbarrier.arrive $0xFFFF  }
0x124: {  	_ =	shalt  }

// kernel: kernel.7.cloned.1.call-start
scs
__scs_entry_jumppad:
0x0: {  	(pc) =	sbr.rel $0x88, $3  }
0x1: {  	(tag) =	ssettag $0x0;
	lr =	simm.s32 $0x1  }
0x2: {  	[smem:$0x3F9C] =	sst lr;
	_ =	strace $0xD0000000  }
0x3: {  	_ = 	snop  }
0x4: {  	_ = 	snop  }
0x5: {  	_ = 	snop  }
0x6: {  	_ = 	snop  }
0x7: {  	_ = 	snop  }
__scs_overlays_trampoline_lowered:
0x8: {  	[smem:$0x3FAB] =	sst s0  }
0x9: {  	[smem:$0x3FAC] =	sst s1  }
0xa: {  	[smem:$0x3FAD] =	sst s2  }
0xb: {  	[smem:$0x3FAE] =	sst s3  }
0xc: {  	[smem:$0x3FAF] =	sst s4  }
0xd: {  	[smem:$0x3FB0] =	sst s5  }
0xe: {  	[smem:$0x3FB1] =	sst s6  }
0xf: {  	[smem:$0x3FB2] =	sst s7  }
0x10: {  	[smem:$0x3FB3] =	sst s8  }
0x11: {  	[smem:$0x3FB4] =	sst s9;
	s0 =	simm.s32 @!p0 $0x0  }
0x12: {  	s1 =	sld [smem:$0x3F9A];
	s0 =	simm.s32 @p0 $0x1  }
0x13: {  	[smem:$0x3FB5] =	sst s0;
	s0 =	simm.s32 @!p1 $0x0  }
0x14: {  	s2 =	sld [smem:$0x3F99];
	s0 =	simm.s32 @p1 $0x1  }
0x15: {  	[smem:$0x3FB6] =	sst s0;
	s0 =	simm.s32 @!p2 $0x0  }
0x16: {  	s3 =	sld [smem:$0x3FDB];
	s0 =	simm.s32 @p2 $0x1  }
0x17: {  	s4 =	simm.s32 $0x1BF5;
	[smem:$0x3FB8] =	sst s0  }
0x18: {  	s0 =	sld [smem:$0x3F9B];
	_ =	swait.ge [sflag:s4], $0x0  }
0x19: {  	s7 =	sld [smem:$0x3F9C]  }
0x1a: {  	s8 =	sadd.s32 $0xFFFFE003, lr  }
0x1b: {  	s9 =	sadd.s32 $0xFFFFFEF7, lr;
	s5 =	simm.s32 $0xFFFFFFFF;
	p2 =	slt.u32 s8, $0xFFFFF086  }
0x1c: {  	p1 =	slt.u32 s9, $0xF7A;
	s5 =	simm.s32 @!p2 $0x0  }
0x1d: {  	s5 =	simm.s32 @p1 $0x1;
	p0 =	seq.s32 s7, s2  }
0x1e: {  	s7 =	smul.u32 @!p0 $0xF7A, s2;
	p2 =	seq.s32 @!p0 s5, $0x0  }
0x1f: {  	s9 =	smul.u32 $0xF7A, s1;
	s8 =	simm.s32 @!p0 $0x1BF5;
	p2 =	por !p2, p0  }
0x20: {  	[sflag:s8] =	ssyncset.s32 @!p0 $0xFFFFF086;
	s6 =	sadd.s32 @!p0 s3, s7;
	s7 =	simm.s32 @!p0 $0x108  }
0x21: {  	s3 =	sadd.s32 s3, s9;
	s6 =	sadd.s32 @!p0 $0x88, s6;
	s7 =	simm.s32 @p2 $0x1082  }
0x22: {  	[simem:s7], [sflag:s8] =	dma.local @!p0 [hbm:s6], $0xF7A  }
0x23: {  	s9 =	sor.u32 $0xD0000000, s2;
	s6 =	simm.s32 $0x108;
	_ =	swait.ge @!p0 [sflag:s8], $0x0  }
0x24: {  	s3 =	sadd.s32 $0x88, s3;
	s6 =	simm.s32 @!p1 $0x1082;
	[sflag:s4] =	ssyncset.s32 $0xFFFFF086  }
0x25: {  	[simem:s6], [sflag:s4] =	dma.local [hbm:s3], $0xF7A  }
0x26: {  	[smem:$0x3F9C] =	sst s1;
	(tag) =	ssettag s2;
	_ =	strace s9  }
0x27: {  	s1 =	sld [smem:$0x3FAC]  }
0x28: {  	s2 =	sld [smem:$0x3FAD]  }
0x29: {  	s4 =	sld [smem:$0x3FAF]  }
0x2a: {  	p0 =	seq.s32 s5, $0x0;
	s5 =	sld [smem:$0x3FB0]  }
0x2b: {  	s6 =	sld [smem:$0x3FB1]  }
0x2c: {  	s7 =	sld [smem:$0x3FB2]  }
0x2d: {  	s3 =	simm.s32 $0x108;
	s8 =	sld [smem:$0x3FB3]  }
0x2e: {  	s3 =	simm.s32 @!p0 $0x1082;
	s9 =	sld [smem:$0x3FB4]  }
0x2f: {  	lr =	sadd.s32 s0, s3;
	s0 =	sld [smem:$0x3FAB]  }
0x30: {  	s3 =	sld [smem:$0x3FAE]  }
0x31: {  	[smem:$0x3FB7] =	sst s10  }
0x32: {  	s10 =	sld [smem:$0x3FB5];
	_ =	sdelay $0x3  }
0x33: {  	p0 =	seq.s32 s10, $0x1;
	s10 =	sld [smem:$0x3FB7];
	_ =	sdelay $0x3  }
0x34: {  	[smem:$0x3FB7] =	sst s10  }
0x35: {  	s10 =	sld [smem:$0x3FB6];
	_ =	sdelay $0x3  }
0x36: {  	p1 =	seq.s32 s10, $0x1;
	s10 =	sld [smem:$0x3FB7];
	_ =	sdelay $0x3  }
0x37: {  	[smem:$0x3FB7] =	sst s10  }
0x38: {  	s10 =	sld [smem:$0x3FB8]  }
0x39: {  	_ = 	snop;
	(pc) =	sbr.ind lr, $3  }
0x3a: {  	_ = 	snop  }
0x3b: {  	_ = 	snop  }
0x3c: {  	p2 =	seq.s32 s10, $0x1;
	s10 =	sld [smem:$0x3FB7]  }
0x3d: {  	_ =	shalt  }
0x3e: {  	_ =	shalt  }
0x3f: {  	_ =	shalt  }
0x40: {  	_ =	shalt  }
0x41: {  	_ =	shalt  }
0x42: {  	_ =	shalt  }
0x43: {  	_ =	shalt  }
0x44: {  	_ =	shalt  }
0x45: {  	_ =	shalt  }
0x46: {  	_ =	shalt  }
0x47: {  	_ =	shalt  }
0x48: {  	_ =	shalt  }
0x49: {  	_ =	shalt  }
0x4a: {  	_ =	shalt  }
0x4b: {  	_ =	shalt  }
0x4c: {  	_ =	shalt  }
0x4d: {  	_ =	shalt  }
0x4e: {  	_ =	shalt  }
0x4f: {  	_ =	shalt  }
0x50: {  	_ =	shalt  }
0x51: {  	_ =	shalt  }
0x52: {  	_ =	shalt  }
0x53: {  	_ =	shalt  }
0x54: {  	_ =	shalt  }
0x55: {  	_ =	shalt  }
0x56: {  	_ =	shalt  }
0x57: {  	_ =	shalt  }
0x58: {  	_ =	shalt  }
0x59: {  	_ =	shalt  }
0x5a: {  	_ =	shalt  }
0x5b: {  	_ =	shalt  }
0x5c: {  	_ =	shalt  }
0x5d: {  	_ =	shalt  }
0x5e: {  	_ =	shalt  }
0x5f: {  	_ =	shalt  }
0x60: {  	_ =	shalt  }
0x61: {  	_ =	shalt  }
0x62: {  	_ =	shalt  }
0x63: {  	_ =	shalt  }
0x64: {  	_ =	shalt  }
0x65: {  	_ =	shalt  }
0x66: {  	_ =	shalt  }
0x67: {  	_ =	shalt  }
0x68: {  	_ =	shalt  }
0x69: {  	_ =	shalt  }
0x6a: {  	_ =	shalt  }
0x6b: {  	_ =	shalt  }
0x6c: {  	_ =	shalt  }
0x6d: {  	_ =	shalt  }
0x6e: {  	_ =	shalt  }
0x6f: {  	_ =	shalt  }
0x70: {  	_ =	shalt  }
0x71: {  	_ =	shalt  }
0x72: {  	_ =	shalt  }
0x73: {  	_ =	shalt  }
0x74: {  	_ =	shalt  }
0x75: {  	_ =	shalt  }
0x76: {  	_ =	shalt  }
0x77: {  	_ =	shalt  }
0x78: {  	_ =	shalt  }
0x79: {  	_ =	shalt  }
0x7a: {  	_ =	shalt  }
0x7b: {  	_ =	shalt  }
0x7c: {  	_ =	shalt  }
0x7d: {  	_ =	shalt  }
0x7e: {  	_ =	shalt  }
0x7f: {  	_ =	shalt  }
0x80: {  	_ =	shalt  }
0x81: {  	_ =	shalt  }
0x82: {  	_ =	shalt  }
0x83: {  	_ =	shalt  }
0x84: {  	_ =	shalt  }
0x85: {  	_ =	shalt  }
0x86: {  	_ =	shalt  }
0x87: {  	_ =	shalt  }
.Lfunc_end0:
.L_simem_size_0:
called_computation_lowered:
.L_overlay_start_0:
0x88: {  	s2 =	sld [smem:$0x3FD9]  }
0x89: {  	s3 =	sld [smem:$0x3FFE];
	_ =	sdelay $0x1  }
0x8a: {  	s1 =	srdreg.scid  }
0x8b: {  	s0 =	sand.u32 $0x1, s1  }
0x8c: {  	s17 =	sshll.u32 s0, $0xA;
	s2 =	sadd.s32 s3, s2  }
0x8d: {  	s2 =	sadd.s32 s2, s17  }
0x8e: {  	[smem:$0x3FC3] =	sst s2  }
0x8f: {  	_ = 	snop  }
0x90: {  	s2 =	sld [smem:$0x3FD0];
	(tm) =	ssettm $0x1  }
0x91: {  	s18 =	sld [smem:$0x3FFB];
	_ =	sdelay $0x3  }
0x92: {  	_ =	strace s18  }
0x93: {  	s3 =	sld [smem:$0x3FFC];
	_ =	sdelay $0x3  }
0x94: {  	_ =	strace s3  }
0x95: {  	s3 =	sld [smem:$0x3FFD];
	_ =	sdelay $0x3  }
0x96: {  	_ =	strace s3  }
0x97: {  	_ =	strace $0x8FFFFFFF  }
0x98: {  	s19 =	sld [smem:$0x3FDB];
	_ =	sdelay $0x1  }
0x99: {  	s4 =	simm.s32 $_scs_section_size  }
0x9a: {  	s5 =	simm.s32 $_size__tile_overlayer_lowered;
	s6 =	simm.s32 $_tile_overlayer_lowered  }
0x9b: {  	s22 =	simm.s32 $0x1BFF;
	s21 =	sshll.u32 s6, $0x1;
	s3 =	sadd.s32 s4, s19  }
0x9c: {  	s7 =	simm.s32 $0x0;
	s20 =	sshll.u32 s5, $0x1;
	s5 =	sadd.s32 s21, s3  }
0x9d: {  	[timem:s7], [sflag:s22] =	dma.local [hbm:s5], s20  }
0x9e: {  	_ =	swait.ge [sflag:s22], s20  }
0x9f: {  	s4 =	ssub.s32 $0x0, s20;
	[sflag:s22] =	ssyncset.done $0x0  }
0xa0: {  	[sflag:s22] =	ssyncadd.s32 s4;
	_ =	sdelay $0x1  }
0xa1: {  	s23 =	simm.s32 $0x1B8B  }
0xa2: {  	_ =	swait.ge [sflag:s23], $0x1  }
0xa3: {  	[sflag:s23] =	ssyncset.done $0x0  }
0xa4: {  	s25 =	simm.s32 $0x1B8E;
	s24 =	sld [smem:$0x3FFE];
	[sflag:s23] =	ssyncadd.s32 $0xFFFFFFFF  }
0xa5: {  	s26 =	simm.s32 $execute0_lowered;
	[smem:$0x3FD2] =	sst s25  }
0xa6: {  	s5 =	sshll.u32 s26, $0x1;
	_ =	strace $0x80000046;
	[dreg:$0x1] =	wrdreg $0xFFFFFFFF  }
0xa7: {  	s28 =	simm.s32 $_size_execute0_lowered;
	s3 =	sadd.s32 s3, s5;
	[dreg:$0x0] =	wrdreg $0x0  }
0xa8: {  	s5 =	sshll.u32 s28, $0x1;
	[dreg:$0x2] =	wrdreg s3  }
0xa9: {  	[dreg:$0x3] =	wrdreg s5  }
0xaa: {  	[dreg:$0x4] =	wrdreg $0xC0  }
0xab: {  	_ =	task [dreg:s7], $0x5FFFF  }
0xac: {  	[dreg:$0x1] =	wrdreg $0xFFFFFFFF  }
0xad: {  	[dreg:$0x0] =	wrdreg $0x60  }
0xae: {  	[dreg:$0x2] =	wrdreg s2  }
0xaf: {  	[dreg:$0x3] =	wrdreg s24  }
0xb0: {  	[dreg:$0x4] =	wrdreg $0x2B000  }
0xb1: {  	[dreg:$0x5] =	wrdreg $0x9  }
0xb2: {  	_ =	task.clear_ibuf [dreg:s7], $0x6FFFF;
	_ =	strace $0x90000046  }
0xb3: {  	s29 =	simm.s32 $0x9;
	_ =	strace $0x80000048  }
0xb4: {  	_ =	swait.ge [sflag:s29], $0x1  }
0xb5: {  	[sflag:s29] =	ssyncadd.s32 $0xFFFFFFFF  }
0xb6: {  	_ =	strace $0x90000048  }
0xb7: {  	_ =	sfence  }
0xb8: {  	s30 =	sld [smem:$0x0];
	_ =	sdelay $0x2  }
0xb9: {  	s31 =	sshll.u32 s1, $0xD;
	s1 =	sshrl.u32 s1, $0x2  }
0xba: {  	s3 =	sand.u32 $0x4000, s31;
	s1 =	sadd.s32 s1, s30  }
0xbb: {  	s0 =	sor.u32 s3, s0;
	s1 =	sshll.u32 s1, $0x11  }
0xbc: {  	s0 =	sor.u32 s1, s0  }
0xbd: {  	s0 =	sadd.s32 $0x8F2B, s0  }
0xbe: {  	[sflag:s0] =	ssyncadd.remote.s32 $0x1  }
0xbf: {  	_ =	sfence.sel $0xFFFF  }
0xc0: {  	[dreg:$0x0] =	wrdreg $0xFFFFFFFF;
	(pc) =	sbr.abs _section_cstart, $3  }
0xc1: {  	[dreg:$0x1] =	wrdreg $0xFFFFFFFF  }
0xc2: {  	_ =	task.clear_ibuf [dreg:s7], $0x2FFFF;
	_ =	strace $0x9FFFFFFF  }
0xc3: {  	(tm) =	ssettm $0x7FFFFFFF  }
tec
execute0_lowered:
.L_overlay_start_1:
0x0: {  	(tag) =	ssettag $0x1  }
0x1: {  	s5 =	rddreg [dreg:$0x0]  }
0x2: {  	s4 =	rddreg [dreg:$0x1];
	s1 =	srdreg.scid  }
0x3: {  	s0 =	stileid.u32;
	s2 =	rddreg [dreg:$0x2];
	s3 =	simm.s32 $0x0  }
0x4: {  	s11 =	simm.s32 $0x2800;
	s6 =	sand.u32 $0x1, s1;
	s1 =	rddreg [dreg:$0x3]  }
0x5: {  	s14 =	simm.s32 $0x0;
	s7 =	smul.u32 $0x280, s0;
	[smem:$0x7FF] =	sst s3  }
0x6: {  	s12 =	sshll.u32 s0, $0x6;
	s8 =	smul.u32 $0x2800, s6;
	s9 =	sshll.u32 s6, $0x4  }
0x7: {  	s6 =	ssub.s32 $0x2, s6;
	_ =	strace $0x80000047;
	s9 =	sor.u32 s0, s9  }
0x8: {  	s10 =	sshrl.u32 s6, $0x1;
	s8 =	sadd.s32 s7, s8;
	s9 =	smul.u32 $0x500, s9  }
0x9: {  	s12 =	sor.u32 $0x1C01, s12;
	s10 =	ssub.s32 s6, s10;
	s8 =	sshrl.u32 s8, $0x3  }
0xa: {  	s8 =	sadd.s32 s8, s4;
	s4 =	sadd.s32 s7, s2;
	s5 =	sadd.s32 s5, s9  }
0xb: {  	s7 =	smax.u32 s10, $0x1;
	s9 =	simm.s32 $0x1;
	s10 =	simm.s32 $0x80  }
0xc: {  	v0 =	vimm.f32 $0.0e+00;
	v1 =	vimm.f32 $1.000000000e+00;
	s6 =	sadd.s32 $0xB000, s8;
	s8 =	simm.s32 $0x2880;
	s13 =	sshrl.u32 s4, $0x3  }
.LBB2_1:
0xd: {  	[tilespmem:$0x2880] =	vst v0  }
0xe: {  	[tilespmem:$0x2890] =	vst v0  }
0xf: {  	[tilespmem:$0x28A0] =	vst v0  }
0x10: {  	[tilespmem:$0x28B0] =	vst v0  }
0x11: {  	[tilespmem:$0x28C0] =	vst v0  }
0x12: {  	[tilespmem:$0x28D0] =	vst v0  }
0x13: {  	[tilespmem:$0x28E0] =	vst v0  }
0x14: {  	[tilespmem:$0x28F0] =	vst v0  }
0x15: {  	[tilespmem:$0x2900] =	vst v0  }
0x16: {  	[tilespmem:$0x2910] =	vst v0  }
0x17: {  	[tilespmem:$0x2920] =	vst v0  }
0x18: {  	[tilespmem:$0x2930] =	vst v0  }
0x19: {  	[tilespmem:$0x2940] =	vst v0  }
0x1a: {  	[tilespmem:$0x2950] =	vst v0  }
0x1b: {  	[tilespmem:$0x2960] =	vst v0  }
0x1c: {  	[tilespmem:$0x2970] =	vst v0  }
0x1d: {  	[tilespmem:$0x2980] =	vst v0  }
0x1e: {  	[tilespmem:$0x2990] =	vst v0  }
0x1f: {  	[tilespmem:$0x29A0] =	vst v0  }
0x20: {  	[tilespmem:$0x29B0] =	vst v0  }
0x21: {  	[tilespmem:$0x29C0] =	vst v0  }
0x22: {  	[tilespmem:$0x29D0] =	vst v0  }
0x23: {  	[tilespmem:$0x29E0] =	vst v0  }
0x24: {  	[tilespmem:$0x29F0] =	vst v0  }
0x25: {  	[tilespmem:$0x2A00] =	vst v0  }
0x26: {  	[tilespmem:$0x2A10] =	vst v0  }
0x27: {  	[tilespmem:$0x2A20] =	vst v0  }
0x28: {  	[tilespmem:$0x2A30] =	vst v0  }
0x29: {  	[tilespmem:$0x2A40] =	vst v0  }
0x2a: {  	[tilespmem:$0x2A50] =	vst v0  }
0x2b: {  	[tilespmem:$0x2A60] =	vst v0  }
0x2c: {  	[tilespmem:$0x2A70] =	vst v0  }
0x2d: {  	[tilespmem:$0x2A80] =	vst v0  }
0x2e: {  	[tilespmem:$0x2A90] =	vst v0  }
0x2f: {  	[tilespmem:$0x2AA0] =	vst v0  }
0x30: {  	[tilespmem:$0x2AB0] =	vst v0  }
0x31: {  	[tilespmem:$0x2AC0] =	vst v0  }
0x32: {  	[tilespmem:$0x2AD0] =	vst v0  }
0x33: {  	[tilespmem:$0x2AE0] =	vst v0  }
0x34: {  	[tilespmem:$0x2AF0] =	vst v0  }
0x35: {  	[tilespmem:$0x2800] =	vst v1  }
0x36: {  	[tilespmem:$0x2810] =	vst v1  }
0x37: {  	[tilespmem:$0x2820] =	vst v1  }
0x38: {  	[tilespmem:$0x2830] =	vst v1  }
0x39: {  	[tilespmem:$0x2840] =	vst v1  }
0x3a: {  	[tilespmem:$0x2850] =	vst v1  }
0x3b: {  	[tilespmem:$0x2860] =	vst v1  }
0x3c: {  	[tilespmem:$0x2870] =	vst v1  }
0x3d: {  	[spmem:s4] =	stream.linear.scatter [tilespmem:s8], [sflag:$0x1], $0x280, $0x38;
	[tilespmem:$0x2D80] =	vst v63  }
0x3e: {  	_ =	swait.ge [sflag:s9], $0x280  }
0x3f: {  	[sflag:s9] =	ssyncset.done $0x0  }
0x40: {  	[sflag:s9] =	ssyncadd.s32 $0xFFFFFD80  }
0x41: {  	[bflag:$0x0] =	sbarrier.arrive $0xFFFF  }
0x42: {  	[tilespmem:s3], [sflag:$0x1] =	stream.linear.gather [hbm4b:s5+s3], $0x2800, $0x38;
	[tilespmem:$0x2D80] =	vst v63  }
0x43: {  	_ =	swait.ge [sflag:s9], $0x2800  }
0x44: {  	[sflag:s9] =	ssyncset.done $0x0  }
0x45: {  	s15 =	simm.s32 $0x0;
	[sflag:s9] =	ssyncadd.s32 $0xFFFFD800  }
0x46: {  	[spmem:s2] =	stream.indirect.scatter.add.f32 [tilespmem:s11], [sflag:$0x1], $0x1, s15, s10, $0xb8;
	[tilespmem:$0x2D80] =	vst v63  }
0x47: {  	_ =	swait.ge [sflag:s9], $0x80  }
0x48: {  	s15 =	simm.s32 $0x200;
	[sflag:s9] =	ssyncset.done $0x0  }
.LBB2_2:
0x49: {  	s16 =	sshra.s32 s15, $0x2;
	[sflag:s9] =	ssyncadd.s32 $0xFFFFFF80;
	p0 =	sne.s32 s15, $0x9E00  }
0x4a: {  	[spmem:s2] =	stream.indirect.scatter.add.f32 [tilespmem:s11], [sflag:$0x1], $0x1, s16, s10, $0xb8;
	[tilespmem:$0x2D80] =	vst v63  }
.Ltmp0:
0x4b: {  	_ = 	snop;
	(pc) =	sbr.rel @p0 .LBB2_2-.Ltmp0, $4  }
0x4c: {  	_ = 	snop  }
0x4d: {  	s15 =	sadd.s32 $0x200, s15  }
0x4e: {  	_ =	swait.ge [sflag:s9], $0x80  }
0x4f: {  	[sflag:s9] =	ssyncset.done $0x0  }
0x50: {  	s14 =	sadd.s32 $0x1, s14  }
0x51: {  	[sflag:s9] =	ssyncadd.s32 $0xFFFFFF80;
	p0 =	sne.s32 s14, s7  }
.Ltmp1:
0x52: {  	[bflag:$0x0] =	sbarrier.arrive $0xFFFF;
	(pc) =	sbr.rel @p0 .LBB2_1-.Ltmp1, $4  }
0x53: {  	[hbm:s6], [sflag:s12] =	dma.local [spmem:s13], $0x50  }
0x54: {  	_ =	swait.ge [sflag:s9], $0x50  }
0x55: {  	[sflag:s9] =	ssyncset.done $0x0  }
0x56: {  	[sflag:s9] =	ssyncadd.s32 $0xFFFFFFB0  }
0x57: {  	_ =	sfence.sel $0x180000  }
0x58: {  	[bflag:$0x0] =	sbarrier.arrive $0xFFFF  }
0x59: {  	p0 =	sne.s32 s0, $0x0;
	_ =	strace $0x90000047  }
0x5a: {  	s0 =	sadd.s32 @!p0 $0x100000, s1;
	[bflag:$0x2] =	sbarrier.arrive $0xFFFF  }
0x5b: {  	[sflag:s0] =	ssyncadd.tile.s32 @!p0 $0x1;
	_ =	shalt  }
.Lfunc_end2:
_tile_overlayer_lowered:
.L_overlay_start_2:
0x5c: {  	(tag) =	ssettag $0x2  }
0x5d: {  	s0 =	rddreg [dreg:$0x0];
	s2 =	stileid.u32  }
0x5e: {  	s1 =	rddreg [dreg:$0x1];
	p0 =	sne.s32 s2, $0x0  }
0x5f: {  	s3 =	rddreg [dreg:$0x2];
	[bflag:$0x3] =	sbarrier.arrive $0xFFFF;
	s2 =	simm.s32 @!p0 $0x1C01  }
0x60: {  	[timem:s3], [sflag:s2] =	dma.local @!p0 [hbm:s0], s1  }
0x61: {  	s0 =	simm.s32 @!p0 $0x1  }
0x62: {  	_ =	swait.ge @!p0 [sflag:s0], s1  }
0x63: {  	s1 =	ssub.s32 @!p0 $0x0, s1;
	[sflag:s0] =	ssyncset.done @!p0 $0x0  }
0x64: {  	[sflag:s0] =	ssyncadd.s32 @!p0 s1  }
0x65: {  	[bflag:$0x3] =	sbarrier.arrive $0xFFFF  }
0x66: {  	_ =	shalt  }

</sc_bundles>
